<compile_context>
chip_gen: v7x
topology: tpu7x:2x2x1
jax: 0.10.2.dev20260603
libtpu: 0.0.44.dev20260713+nightly
codegen_flags: <defaults>
</compile_context>

<pallas_src>
import functools

import jax
import jax.numpy as jnp
from jax import lax
from jax.experimental import pallas as pl
from jax.experimental.pallas import tpu as pltpu
from jax.experimental.pallas import tpu_sc as plsc

VOCAB_SIZE = 1000000
D = 128
BATCH = 4096
SEQ = 200
B_TOTAL = BATCH * SEQ
NC, NS = 2, 16
NW = NC * NS
PER_W = B_TOTAL // NW
CH = 128
NCH = PER_W // CH
NR = 3

LO, HI = 2, 197

_mesh = plsc.VectorSubcoreMesh(core_axis_name="c", subcore_axis_name="s")


@functools.partial(
    pl.kernel,
    out_type=jax.ShapeDtypeStruct((NW * NCH, CH, D), jnp.float32),
    mesh=_mesh,
    scratch_types=[
        pltpu.VMEM((NCH, CH), jnp.int32),
        pltpu.VMEM((NR, CH, D), jnp.float32),
        pltpu.VMEM_SHARED((NS, NR, CH, D), jnp.float32),
    ] + [pltpu.SemaphoreType.DMA] * (3 * NR),
)
def _sc_gather(table_hbm, idx_hbm, out_hbm, idx_v, rows_v, sp, *sems):
    gsem = sems[:NR]
    csem = sems[NR:2 * NR]
    osem = sems[2 * NR:]
    sid = lax.axis_index("s")
    wid = sid * NC + lax.axis_index("c")
    pltpu.sync_copy(idx_hbm.at[wid], idx_v)

    def g_desc(j, s):
        return pltpu.make_async_copy(
            table_hbm.at[idx_v.at[j]], rows_v.at[s], gsem[s])

    def c_desc(s):
        return pltpu.make_async_copy(rows_v.at[s], sp.at[sid, s], csem[s])

    def o_desc(j, s):
        return pltpu.make_async_copy(
            sp.at[sid, s], out_hbm.at[wid * NCH + j], osem[s])

    g_desc(0, 0).start()
    g_desc(1, 1).start()
    g_desc(0, 0).wait()
    c_desc(0).start()
    g_desc(2, 2).start()
    g_desc(1, 1).wait()
    c_desc(1).start()
    c_desc(0).wait()
    o_desc(0, 0).start()
    g_desc(3, 0).start()

    @pl.loop(LO, HI, step=NR)
    def _(g):
        for b in range(NR):
            j = g + b
            s = (b + 2) % NR
            g_desc(j, s).wait()
            c_desc(s).start()
            c_desc((s + 2) % NR).wait()
            o_desc(j - 1, (s + 2) % NR).start()
            o_desc(j - 2, (s + 1) % NR).wait()
            g_desc(j + 2, (s + 2) % NR).start()

    for j in range(HI, NCH):
        s = j % NR
        g_desc(j, s).wait()
        c_desc(s).start()
        c_desc((s + 2) % NR).wait()
        o_desc(j - 1, (s + 2) % NR).start()
        o_desc(j - 2, (s + 1) % NR).wait()
        if j + 2 < NCH:
            g_desc(j + 2, (s + 2) % NR).start()
    c_desc((NCH - 1) % NR).wait()
    o_desc(NCH - 1, (NCH - 1) % NR).start()
    o_desc(NCH - 2, (NCH - 2) % NR).wait()
    o_desc(NCH - 1, (NCH - 1) % NR).wait()


def kernel(token_ids, weight):
    idx = token_ids.reshape(NW, NCH, CH).astype(jnp.int32)
    out = _sc_gather(weight, idx)
    return out.reshape(BATCH, SEQ, D)

# --- scband reference (transcript-rebuilt; emitter-appended) ---
"""Pipeline reference for scband-embedding-90400471646670 (READ-ONLY COPY).

The authoritative reference and input builder live on the scoring server;
editing this copy changes nothing except your own understanding.
"""

import jax, jax.numpy as jnp
import numpy as np

VOCAB_SIZE = 1000000
D_MODEL = 128

def setup_inputs(seed: int = 0) -> dict:
    key = jax.random.key(seed)
    k_idx, k_w = jax.random.split(key)
    token_ids = jax.random.randint(k_idx, (4096, 200), 0, VOCAB_SIZE, dtype=jnp.int64 if jax.config.jax_enable_x64 else jnp.int32)
    weight = jax.random.normal(k_w, (VOCAB_SIZE, D_MODEL), dtype=jnp.float32)
    return {"token_ids": token_ids, "weight": weight}

def reference(token_ids, weight):
    # Embedding lookup: weight[token_ids] -> (batch, seq_len, d_model)
    return jnp.take(weight, token_ids, axis=0)

if __name__ == "__main__":
    import jax
    _d = setup_inputs()
    print(jax.jit(kernel)(*tuple(_d.values())))

</pallas_src>

<mosaic_0001>
#map = affine_map<(d0, d1) -> (0, 0)>
#map1 = affine_map<(d0, d1) -> (0, 0, 0)>
module attributes {stable_mosaic.version = 14 : i64} {
  func.func @_sc_gather(%arg0: i32, %arg1: i32, %arg2: memref<1000000x128xf32, #tpu.memory_space<hbm>>, %arg3: memref<32x200x128xi32, #tpu.memory_space<hbm>>, %arg4: memref<6400x128x128xf32, #tpu.memory_space<hbm>>, %arg5: memref<200x128xi32, #tpu.memory_space<vmem>>, %arg6: memref<3x128x128xf32, #tpu.memory_space<vmem>>, %arg7: memref<16x3x128x128xf32, #tpu.memory_space<vmem_shared>>, %arg8: memref<!tpu.dma_semaphore, #tpu.memory_space<semaphore_mem>>, %arg9: memref<!tpu.dma_semaphore, #tpu.memory_space<semaphore_mem>>, %arg10: memref<!tpu.dma_semaphore, #tpu.memory_space<semaphore_mem>>, %arg11: memref<!tpu.dma_semaphore, #tpu.memory_space<semaphore_mem>>, %arg12: memref<!tpu.dma_semaphore, #tpu.memory_space<semaphore_mem>>, %arg13: memref<!tpu.dma_semaphore, #tpu.memory_space<semaphore_mem>>, %arg14: memref<!tpu.dma_semaphore, #tpu.memory_space<semaphore_mem>>, %arg15: memref<!tpu.dma_semaphore, #tpu.memory_space<semaphore_mem>>, %arg16: memref<!tpu.dma_semaphore, #tpu.memory_space<semaphore_mem>>) attributes {dimension_semantics = [#tpu.dimension_semantics<core_parallel>, #tpu.dimension_semantics<subcore_parallel>], iteration_bounds = array<i64: 2, 16>, scalar_prefetch = 0 : i64, scratch_operands = 12 : i64, tpu.core_type = #tpu.core_type<sc_vector_subcore>, window_params = [{transform_indices = #map}, {transform_indices = #map1}, {transform_indices = #map1}]} {
    %mul3A = arith.constant 2 : i32
    %mul3A_0 = arith.muli %arg1, %mul3A : i32
    %add3A = arith.addi %mul3A_0, %arg0 : i32
    "tpu.region"() ({
      %run_scoped3A = tpu.sem_alloc : memref<!tpu.dma_semaphore, #tpu.memory_space<semaphore_mem>>
      %dma_start3A_433 = arith.constant 0 : i32
      %dma_start3A_434 = arith.constant 0 : i32
      %dma_start3A_435 = tpu.memref_slice %arg3[%add3A, %dma_start3A_433, %dma_start3A_434] : memref<32x200x128xi32, #tpu.memory_space<hbm>> -> memref<1x200x128xi32, #tpu.memory_space<hbm>>
      %dma_start3A_436 = tpu.memref_squeeze %dma_start3A_435 : memref<1x200x128xi32, #tpu.memory_space<hbm>> -> memref<200x128xi32, #tpu.memory_space<hbm>>
      %dma_start3A_437 = arith.constant 0 : i32
      %dma_start3A_438 = arith.constant 0 : i32
      %dma_start3A_439 = tpu.memref_slice %arg3[%add3A, %dma_start3A_437, %dma_start3A_438] : memref<32x200x128xi32, #tpu.memory_space<hbm>> -> memref<1x200x128xi32, #tpu.memory_space<hbm>>
      %dma_start3A_440 = tpu.memref_squeeze %dma_start3A_439 : memref<1x200x128xi32, #tpu.memory_space<hbm>> -> memref<200x128xi32, #tpu.memory_space<hbm>>
      tpu.enqueue_dma source(%dma_start3A_440 : memref<200x128xi32, #tpu.memory_space<hbm>>) target(%arg5 : memref<200x128xi32, #tpu.memory_space<vmem>>) target_semaphore(%run_scoped3A : memref<!tpu.dma_semaphore, #tpu.memory_space<semaphore_mem>>)
      %dma_wait3A_441 = arith.constant 0 : i32
      %dma_wait3A_442 = arith.constant 0 : i32
      %dma_wait3A_443 = tpu.memref_slice %arg3[%add3A, %dma_wait3A_441, %dma_wait3A_442] : memref<32x200x128xi32, #tpu.memory_space<hbm>> -> memref<1x200x128xi32, #tpu.memory_space<hbm>>
      %dma_wait3A_444 = tpu.memref_squeeze %dma_wait3A_443 : memref<1x200x128xi32, #tpu.memory_space<hbm>> -> memref<200x128xi32, #tpu.memory_space<hbm>>
      %dma_wait3A_445 = arith.constant 0 : i32
      %dma_wait3A_446 = arith.constant 0 : i32
      %dma_wait3A_447 = tpu.memref_slice %arg3[%add3A, %dma_wait3A_445, %dma_wait3A_446] : memref<32x200x128xi32, #tpu.memory_space<hbm>> -> memref<1x200x128xi32, #tpu.memory_space<hbm>>
      %dma_wait3A_448 = tpu.memref_squeeze %dma_wait3A_447 : memref<1x200x128xi32, #tpu.memory_space<hbm>> -> memref<200x128xi32, #tpu.memory_space<hbm>>
      tpu.wait_dma2 semaphore(%run_scoped3A : memref<!tpu.dma_semaphore, #tpu.memory_space<semaphore_mem>>) src(%dma_wait3A_448 : memref<200x128xi32, #tpu.memory_space<hbm>>) dst(%arg5 : memref<200x128xi32, #tpu.memory_space<vmem>>)
      tpu.yield
    }) : () -> ()
    %dma_start3A = arith.constant 0 : i32
    %dma_start3A_1 = arith.constant 0 : i32
    %dma_start3A_2 = arith.constant 0 : i32
    %dma_start3A_3 = arith.constant 0 : i32
    %dma_start3A_4 = tpu.memref_slice %arg6[%dma_start3A_1, %dma_start3A_2, %dma_start3A_3] : memref<3x128x128xf32, #tpu.memory_space<vmem>> -> memref<1x128x128xf32, #tpu.memory_space<vmem>>
    %dma_start3A_5 = tpu.memref_squeeze %dma_start3A_4 : memref<1x128x128xf32, #tpu.memory_space<vmem>> -> memref<128x128xf32, #tpu.memory_space<vmem>>
    %dma_start3A_6 = arith.constant 0 : i32
    %dma_start3A_7 = tpu.memref_slice %arg5[%dma_start3A, %dma_start3A_6] : memref<200x128xi32, #tpu.memory_space<vmem>> -> memref<1x128xi32, #tpu.memory_space<vmem>>
    %dma_start3A_8 = tpu.memref_squeeze %dma_start3A_7 : memref<1x128xi32, #tpu.memory_space<vmem>> -> memref<128xi32, #tpu.memory_space<vmem>>
    %dma_start3A_9 = arith.constant 0 : i32
    %dma_start3A_10 = arith.constant 0 : i32
    %dma_start3A_11 = tpu.memref_slice %arg2[%dma_start3A_9, %dma_start3A_10] : memref<1000000x128xf32, #tpu.memory_space<hbm>> -> memref<1000000x128xf32, #tpu.memory_space<hbm>>
    tpu.enqueue_indirect_dma source(%dma_start3A_11 : memref<1000000x128xf32, #tpu.memory_space<hbm>>) target(%dma_start3A_5 : memref<128x128xf32, #tpu.memory_space<vmem>>) offsets(%dma_start3A_8 : memref<128xi32, #tpu.memory_space<vmem>>) semaphore(%arg8 : memref<!tpu.dma_semaphore, #tpu.memory_space<semaphore_mem>>)
    %dma_start3A_12 = arith.constant 1 : i32
    %dma_start3A_13 = arith.constant 1 : i32
    %dma_start3A_14 = arith.constant 0 : i32
    %dma_start3A_15 = arith.constant 0 : i32
    %dma_start3A_16 = tpu.memref_slice %arg6[%dma_start3A_13, %dma_start3A_14, %dma_start3A_15] : memref<3x128x128xf32, #tpu.memory_space<vmem>> -> memref<1x128x128xf32, #tpu.memory_space<vmem>>
    %dma_start3A_17 = tpu.memref_squeeze %dma_start3A_16 : memref<1x128x128xf32, #tpu.memory_space<vmem>> -> memref<128x128xf32, #tpu.memory_space<vmem>>
    %dma_start3A_18 = arith.constant 0 : i32
    %dma_start3A_19 = tpu.memref_slice %arg5[%dma_start3A_12, %dma_start3A_18] : memref<200x128xi32, #tpu.memory_space<vmem>> -> memref<1x128xi32, #tpu.memory_space<vmem>>
    %dma_start3A_20 = tpu.memref_squeeze %dma_start3A_19 : memref<1x128xi32, #tpu.memory_space<vmem>> -> memref<128xi32, #tpu.memory_space<vmem>>
    %dma_start3A_21 = arith.constant 0 : i32
    %dma_start3A_22 = arith.constant 0 : i32
    %dma_start3A_23 = tpu.memref_slice %arg2[%dma_start3A_21, %dma_start3A_22] : memref<1000000x128xf32, #tpu.memory_space<hbm>> -> memref<1000000x128xf32, #tpu.memory_space<hbm>>
    tpu.enqueue_indirect_dma source(%dma_start3A_23 : memref<1000000x128xf32, #tpu.memory_space<hbm>>) target(%dma_start3A_17 : memref<128x128xf32, #tpu.memory_space<vmem>>) offsets(%dma_start3A_20 : memref<128xi32, #tpu.memory_space<vmem>>) semaphore(%arg9 : memref<!tpu.dma_semaphore, #tpu.memory_space<semaphore_mem>>)
    %dma_wait3A = arith.constant 0 : i32
    %dma_wait3A_24 = arith.constant 0 : i32
    %dma_wait3A_25 = arith.constant 0 : i32
    %dma_wait3A_26 = arith.constant 0 : i32
    %dma_wait3A_27 = tpu.memref_slice %arg6[%dma_wait3A_24, %dma_wait3A_25, %dma_wait3A_26] : memref<3x128x128xf32, #tpu.memory_space<vmem>> -> memref<1x128x128xf32, #tpu.memory_space<vmem>>
    %dma_wait3A_28 = tpu.memref_squeeze %dma_wait3A_27 : memref<1x128x128xf32, #tpu.memory_space<vmem>> -> memref<128x128xf32, #tpu.memory_space<vmem>>
    %dma_wait3A_29 = arith.constant 0 : i32
    %dma_wait3A_30 = tpu.memref_slice %arg5[%dma_wait3A, %dma_wait3A_29] : memref<200x128xi32, #tpu.memory_space<vmem>> -> memref<1x128xi32, #tpu.memory_space<vmem>>
    %dma_wait3A_31 = tpu.memref_squeeze %dma_wait3A_30 : memref<1x128xi32, #tpu.memory_space<vmem>> -> memref<128xi32, #tpu.memory_space<vmem>>
    %dma_wait3A_32 = arith.constant 0 : i32
    %dma_wait3A_33 = arith.constant 0 : i32
    %dma_wait3A_34 = tpu.memref_slice %arg2[%dma_wait3A_32, %dma_wait3A_33] : memref<1000000x128xf32, #tpu.memory_space<hbm>> -> memref<1000000x128xf32, #tpu.memory_space<hbm>>
    tpu.wait_indirect_dma semaphore(%arg8 : memref<!tpu.dma_semaphore, #tpu.memory_space<semaphore_mem>>) src(%dma_wait3A_34 : memref<1000000x128xf32, #tpu.memory_space<hbm>>) dst(%dma_wait3A_28 : memref<128x128xf32, #tpu.memory_space<vmem>>)
    %dma_start3A_35 = arith.constant 0 : i32
    %dma_start3A_36 = arith.constant 0 : i32
    %dma_start3A_37 = arith.constant 0 : i32
    %dma_start3A_38 = arith.constant 0 : i32
    %dma_start3A_39 = tpu.memref_slice %arg6[%dma_start3A_35, %dma_start3A_37, %dma_start3A_38] : memref<3x128x128xf32, #tpu.memory_space<vmem>> -> memref<1x128x128xf32, #tpu.memory_space<vmem>>
    %dma_start3A_40 = tpu.memref_squeeze %dma_start3A_39 : memref<1x128x128xf32, #tpu.memory_space<vmem>> -> memref<128x128xf32, #tpu.memory_space<vmem>>
    %dma_start3A_41 = arith.constant 0 : i32
    %dma_start3A_42 = arith.constant 0 : i32
    %dma_start3A_43 = tpu.memref_slice %arg7[%arg1, %dma_start3A_36, %dma_start3A_41, %dma_start3A_42] : memref<16x3x128x128xf32, #tpu.memory_space<vmem_shared>> -> memref<1x1x128x128xf32, #tpu.memory_space<vmem_shared>>
    %dma_start3A_44 = tpu.memref_squeeze %dma_start3A_43 : memref<1x1x128x128xf32, #tpu.memory_space<vmem_shared>> -> memref<128x128xf32, #tpu.memory_space<vmem_shared>>
    %dma_start3A_45 = arith.constant 0 : i32
    %dma_start3A_46 = arith.constant 0 : i32
    %dma_start3A_47 = tpu.memref_slice %arg7[%arg1, %dma_start3A_36, %dma_start3A_45, %dma_start3A_46] : memref<16x3x128x128xf32, #tpu.memory_space<vmem_shared>> -> memref<1x1x128x128xf32, #tpu.memory_space<vmem_shared>>
    %dma_start3A_48 = tpu.memref_squeeze %dma_start3A_47 : memref<1x1x128x128xf32, #tpu.memory_space<vmem_shared>> -> memref<128x128xf32, #tpu.memory_space<vmem_shared>>
    %dma_start3A_49 = arith.constant 0 : i32
    %dma_start3A_50 = arith.constant 0 : i32
    %dma_start3A_51 = tpu.memref_slice %arg6[%dma_start3A_35, %dma_start3A_49, %dma_start3A_50] : memref<3x128x128xf32, #tpu.memory_space<vmem>> -> memref<1x128x128xf32, #tpu.memory_space<vmem>>
    %dma_start3A_52 = tpu.memref_squeeze %dma_start3A_51 : memref<1x128x128xf32, #tpu.memory_space<vmem>> -> memref<128x128xf32, #tpu.memory_space<vmem>>
    tpu.enqueue_dma source(%dma_start3A_52 : memref<128x128xf32, #tpu.memory_space<vmem>>) target(%dma_start3A_48 : memref<128x128xf32, #tpu.memory_space<vmem_shared>>) target_semaphore(%arg11 : memref<!tpu.dma_semaphore, #tpu.memory_space<semaphore_mem>>)
    %dma_start3A_53 = arith.constant 2 : i32
    %dma_start3A_54 = arith.constant 2 : i32
    %dma_start3A_55 = arith.constant 0 : i32
    %dma_start3A_56 = arith.constant 0 : i32
    %dma_start3A_57 = tpu.memref_slice %arg6[%dma_start3A_54, %dma_start3A_55, %dma_start3A_56] : memref<3x128x128xf32, #tpu.memory_space<vmem>> -> memref<1x128x128xf32, #tpu.memory_space<vmem>>
    %dma_start3A_58 = tpu.memref_squeeze %dma_start3A_57 : memref<1x128x128xf32, #tpu.memory_space<vmem>> -> memref<128x128xf32, #tpu.memory_space<vmem>>
    %dma_start3A_59 = arith.constant 0 : i32
    %dma_start3A_60 = tpu.memref_slice %arg5[%dma_start3A_53, %dma_start3A_59] : memref<200x128xi32, #tpu.memory_space<vmem>> -> memref<1x128xi32, #tpu.memory_space<vmem>>
    %dma_start3A_61 = tpu.memref_squeeze %dma_start3A_60 : memref<1x128xi32, #tpu.memory_space<vmem>> -> memref<128xi32, #tpu.memory_space<vmem>>
    %dma_start3A_62 = arith.constant 0 : i32
    %dma_start3A_63 = arith.constant 0 : i32
    %dma_start3A_64 = tpu.memref_slice %arg2[%dma_start3A_62, %dma_start3A_63] : memref<1000000x128xf32, #tpu.memory_space<hbm>> -> memref<1000000x128xf32, #tpu.memory_space<hbm>>
    tpu.enqueue_indirect_dma source(%dma_start3A_64 : memref<1000000x128xf32, #tpu.memory_space<hbm>>) target(%dma_start3A_58 : memref<128x128xf32, #tpu.memory_space<vmem>>) offsets(%dma_start3A_61 : memref<128xi32, #tpu.memory_space<vmem>>) semaphore(%arg10 : memref<!tpu.dma_semaphore, #tpu.memory_space<semaphore_mem>>)
    %dma_wait3A_65 = arith.constant 1 : i32
    %dma_wait3A_66 = arith.constant 1 : i32
    %dma_wait3A_67 = arith.constant 0 : i32
    %dma_wait3A_68 = arith.constant 0 : i32
    %dma_wait3A_69 = tpu.memref_slice %arg6[%dma_wait3A_66, %dma_wait3A_67, %dma_wait3A_68] : memref<3x128x128xf32, #tpu.memory_space<vmem>> -> memref<1x128x128xf32, #tpu.memory_space<vmem>>
    %dma_wait3A_70 = tpu.memref_squeeze %dma_wait3A_69 : memref<1x128x128xf32, #tpu.memory_space<vmem>> -> memref<128x128xf32, #tpu.memory_space<vmem>>
    %dma_wait3A_71 = arith.constant 0 : i32
    %dma_wait3A_72 = tpu.memref_slice %arg5[%dma_wait3A_65, %dma_wait3A_71] : memref<200x128xi32, #tpu.memory_space<vmem>> -> memref<1x128xi32, #tpu.memory_space<vmem>>
    %dma_wait3A_73 = tpu.memref_squeeze %dma_wait3A_72 : memref<1x128xi32, #tpu.memory_space<vmem>> -> memref<128xi32, #tpu.memory_space<vmem>>
    %dma_wait3A_74 = arith.constant 0 : i32
    %dma_wait3A_75 = arith.constant 0 : i32
    %dma_wait3A_76 = tpu.memref_slice %arg2[%dma_wait3A_74, %dma_wait3A_75] : memref<1000000x128xf32, #tpu.memory_space<hbm>> -> memref<1000000x128xf32, #tpu.memory_space<hbm>>
    tpu.wait_indirect_dma semaphore(%arg9 : memref<!tpu.dma_semaphore, #tpu.memory_space<semaphore_mem>>) src(%dma_wait3A_76 : memref<1000000x128xf32, #tpu.memory_space<hbm>>) dst(%dma_wait3A_70 : memref<128x128xf32, #tpu.memory_space<vmem>>)
    %dma_start3A_77 = arith.constant 1 : i32
    %dma_start3A_78 = arith.constant 1 : i32
    %dma_start3A_79 = arith.constant 0 : i32
    %dma_start3A_80 = arith.constant 0 : i32
    %dma_start3A_81 = tpu.memref_slice %arg6[%dma_start3A_77, %dma_start3A_79, %dma_start3A_80] : memref<3x128x128xf32, #tpu.memory_space<vmem>> -> memref<1x128x128xf32, #tpu.memory_space<vmem>>
    %dma_start3A_82 = tpu.memref_squeeze %dma_start3A_81 : memref<1x128x128xf32, #tpu.memory_space<vmem>> -> memref<128x128xf32, #tpu.memory_space<vmem>>
    %dma_start3A_83 = arith.constant 0 : i32
    %dma_start3A_84 = arith.constant 0 : i32
    %dma_start3A_85 = tpu.memref_slice %arg7[%arg1, %dma_start3A_78, %dma_start3A_83, %dma_start3A_84] : memref<16x3x128x128xf32, #tpu.memory_space<vmem_shared>> -> memref<1x1x128x128xf32, #tpu.memory_space<vmem_shared>>
    %dma_start3A_86 = tpu.memref_squeeze %dma_start3A_85 : memref<1x1x128x128xf32, #tpu.memory_space<vmem_shared>> -> memref<128x128xf32, #tpu.memory_space<vmem_shared>>
    %dma_start3A_87 = arith.constant 0 : i32
    %dma_start3A_88 = arith.constant 0 : i32
    %dma_start3A_89 = tpu.memref_slice %arg7[%arg1, %dma_start3A_78, %dma_start3A_87, %dma_start3A_88] : memref<16x3x128x128xf32, #tpu.memory_space<vmem_shared>> -> memref<1x1x128x128xf32, #tpu.memory_space<vmem_shared>>
    %dma_start3A_90 = tpu.memref_squeeze %dma_start3A_89 : memref<1x1x128x128xf32, #tpu.memory_space<vmem_shared>> -> memref<128x128xf32, #tpu.memory_space<vmem_shared>>
    %dma_start3A_91 = arith.constant 0 : i32
    %dma_start3A_92 = arith.constant 0 : i32
    %dma_start3A_93 = tpu.memref_slice %arg6[%dma_start3A_77, %dma_start3A_91, %dma_start3A_92] : memref<3x128x128xf32, #tpu.memory_space<vmem>> -> memref<1x128x128xf32, #tpu.memory_space<vmem>>
    %dma_start3A_94 = tpu.memref_squeeze %dma_start3A_93 : memref<1x128x128xf32, #tpu.memory_space<vmem>> -> memref<128x128xf32, #tpu.memory_space<vmem>>
    tpu.enqueue_dma source(%dma_start3A_94 : memref<128x128xf32, #tpu.memory_space<vmem>>) target(%dma_start3A_90 : memref<128x128xf32, #tpu.memory_space<vmem_shared>>) target_semaphore(%arg12 : memref<!tpu.dma_semaphore, #tpu.memory_space<semaphore_mem>>)
    %dma_wait3A_95 = arith.constant 0 : i32
    %dma_wait3A_96 = arith.constant 0 : i32
    %dma_wait3A_97 = arith.constant 0 : i32
    %dma_wait3A_98 = arith.constant 0 : i32
    %dma_wait3A_99 = tpu.memref_slice %arg6[%dma_wait3A_95, %dma_wait3A_97, %dma_wait3A_98] : memref<3x128x128xf32, #tpu.memory_space<vmem>> -> memref<1x128x128xf32, #tpu.memory_space<vmem>>
    %dma_wait3A_100 = tpu.memref_squeeze %dma_wait3A_99 : memref<1x128x128xf32, #tpu.memory_space<vmem>> -> memref<128x128xf32, #tpu.memory_space<vmem>>
    %dma_wait3A_101 = arith.constant 0 : i32
    %dma_wait3A_102 = arith.constant 0 : i32
    %dma_wait3A_103 = tpu.memref_slice %arg7[%arg1, %dma_wait3A_96, %dma_wait3A_101, %dma_wait3A_102] : memref<16x3x128x128xf32, #tpu.memory_space<vmem_shared>> -> memref<1x1x128x128xf32, #tpu.memory_space<vmem_shared>>
    %dma_wait3A_104 = tpu.memref_squeeze %dma_wait3A_103 : memref<1x1x128x128xf32, #tpu.memory_space<vmem_shared>> -> memref<128x128xf32, #tpu.memory_space<vmem_shared>>
    %dma_wait3A_105 = arith.constant 0 : i32
    %dma_wait3A_106 = arith.constant 0 : i32
    %dma_wait3A_107 = tpu.memref_slice %arg7[%arg1, %dma_wait3A_96, %dma_wait3A_105, %dma_wait3A_106] : memref<16x3x128x128xf32, #tpu.memory_space<vmem_shared>> -> memref<1x1x128x128xf32, #tpu.memory_space<vmem_shared>>
    %dma_wait3A_108 = tpu.memref_squeeze %dma_wait3A_107 : memref<1x1x128x128xf32, #tpu.memory_space<vmem_shared>> -> memref<128x128xf32, #tpu.memory_space<vmem_shared>>
    %dma_wait3A_109 = arith.constant 0 : i32
    %dma_wait3A_110 = arith.constant 0 : i32
    %dma_wait3A_111 = tpu.memref_slice %arg6[%dma_wait3A_95, %dma_wait3A_109, %dma_wait3A_110] : memref<3x128x128xf32, #tpu.memory_space<vmem>> -> memref<1x128x128xf32, #tpu.memory_space<vmem>>
    %dma_wait3A_112 = tpu.memref_squeeze %dma_wait3A_111 : memref<1x128x128xf32, #tpu.memory_space<vmem>> -> memref<128x128xf32, #tpu.memory_space<vmem>>
    tpu.wait_dma2 semaphore(%arg11 : memref<!tpu.dma_semaphore, #tpu.memory_space<semaphore_mem>>) src(%dma_wait3A_112 : memref<128x128xf32, #tpu.memory_space<vmem>>) dst(%dma_wait3A_108 : memref<128x128xf32, #tpu.memory_space<vmem_shared>>)
    %mul3A_113 = arith.constant 200 : i32
    %mul3A_114 = arith.muli %add3A, %mul3A_113 : i32
    %add3A_115 = arith.constant 0 : i32
    %add3A_116 = arith.addi %mul3A_114, %add3A_115 : i32
    %dma_start3A_117 = arith.constant 0 : i32
    %dma_start3A_118 = arith.constant 0 : i32
    %dma_start3A_119 = arith.constant 0 : i32
    %dma_start3A_120 = tpu.memref_slice %arg4[%add3A_116, %dma_start3A_118, %dma_start3A_119] : memref<6400x128x128xf32, #tpu.memory_space<hbm>> -> memref<1x128x128xf32, #tpu.memory_space<hbm>>
    %dma_start3A_121 = tpu.memref_squeeze %dma_start3A_120 : memref<1x128x128xf32, #tpu.memory_space<hbm>> -> memref<128x128xf32, #tpu.memory_space<hbm>>
    %dma_start3A_122 = arith.constant 0 : i32
    %dma_start3A_123 = arith.constant 0 : i32
    %dma_start3A_124 = tpu.memref_slice %arg7[%arg1, %dma_start3A_117, %dma_start3A_122, %dma_start3A_123] : memref<16x3x128x128xf32, #tpu.memory_space<vmem_shared>> -> memref<1x1x128x128xf32, #tpu.memory_space<vmem_shared>>
    %dma_start3A_125 = tpu.memref_squeeze %dma_start3A_124 : memref<1x1x128x128xf32, #tpu.memory_space<vmem_shared>> -> memref<128x128xf32, #tpu.memory_space<vmem_shared>>
    tpu.enqueue_dma source(%dma_start3A_125 : memref<128x128xf32, #tpu.memory_space<vmem_shared>>) target(%dma_start3A_121 : memref<128x128xf32, #tpu.memory_space<hbm>>) target_semaphore(%arg14 : memref<!tpu.dma_semaphore, #tpu.memory_space<semaphore_mem>>)
    %dma_start3A_126 = arith.constant 3 : i32
    %dma_start3A_127 = arith.constant 0 : i32
    %dma_start3A_128 = arith.constant 0 : i32
    %dma_start3A_129 = arith.constant 0 : i32
    %dma_start3A_130 = tpu.memref_slice %arg6[%dma_start3A_127, %dma_start3A_128, %dma_start3A_129] : memref<3x128x128xf32, #tpu.memory_space<vmem>> -> memref<1x128x128xf32, #tpu.memory_space<vmem>>
    %dma_start3A_131 = tpu.memref_squeeze %dma_start3A_130 : memref<1x128x128xf32, #tpu.memory_space<vmem>> -> memref<128x128xf32, #tpu.memory_space<vmem>>
    %dma_start3A_132 = arith.constant 0 : i32
    %dma_start3A_133 = tpu.memref_slice %arg5[%dma_start3A_126, %dma_start3A_132] : memref<200x128xi32, #tpu.memory_space<vmem>> -> memref<1x128xi32, #tpu.memory_space<vmem>>
    %dma_start3A_134 = tpu.memref_squeeze %dma_start3A_133 : memref<1x128xi32, #tpu.memory_space<vmem>> -> memref<128xi32, #tpu.memory_space<vmem>>
    %dma_start3A_135 = arith.constant 0 : i32
    %dma_start3A_136 = arith.constant 0 : i32
    %dma_start3A_137 = tpu.memref_slice %arg2[%dma_start3A_135, %dma_start3A_136] : memref<1000000x128xf32, #tpu.memory_space<hbm>> -> memref<1000000x128xf32, #tpu.memory_space<hbm>>
    tpu.enqueue_indirect_dma source(%dma_start3A_137 : memref<1000000x128xf32, #tpu.memory_space<hbm>>) target(%dma_start3A_131 : memref<128x128xf32, #tpu.memory_space<vmem>>) offsets(%dma_start3A_134 : memref<128xi32, #tpu.memory_space<vmem>>) semaphore(%arg8 : memref<!tpu.dma_semaphore, #tpu.memory_space<semaphore_mem>>)
    %scan3A = arith.constant 0 : i32
    %scan3A_138 = arith.constant 65 : i32
    %scan3A_139 = arith.addi %scan3A, %scan3A_138 : i32
    %scan3A_140 = arith.constant 1 : i32
    scf.for %scan3A_433 = %scan3A to %scan3A_139 step %scan3A_140  : i32 {
      %mul3A_434 = arith.constant 3 : i32
      %mul3A_435 = arith.muli %scan3A_433, %mul3A_434 : i32
      %add3A_436 = arith.constant 2 : i32
      %add3A_437 = arith.addi %add3A_436, %mul3A_435 : i32
      %add3A_438 = arith.constant 0 : i32
      %add3A_439 = arith.addi %add3A_437, %add3A_438 : i32
      %dma_wait3A_440 = arith.constant 2 : i32
      %dma_wait3A_441 = arith.constant 0 : i32
      %dma_wait3A_442 = arith.constant 0 : i32
      %dma_wait3A_443 = tpu.memref_slice %arg6[%dma_wait3A_440, %dma_wait3A_441, %dma_wait3A_442] : memref<3x128x128xf32, #tpu.memory_space<vmem>> -> memref<1x128x128xf32, #tpu.memory_space<vmem>>
      %dma_wait3A_444 = tpu.memref_squeeze %dma_wait3A_443 : memref<1x128x128xf32, #tpu.memory_space<vmem>> -> memref<128x128xf32, #tpu.memory_space<vmem>>
      %dma_wait3A_445 = arith.constant 0 : i32
      %dma_wait3A_446 = tpu.memref_slice %arg5[%add3A_439, %dma_wait3A_445] : memref<200x128xi32, #tpu.memory_space<vmem>> -> memref<1x128xi32, #tpu.memory_space<vmem>>
      %dma_wait3A_447 = tpu.memref_squeeze %dma_wait3A_446 : memref<1x128xi32, #tpu.memory_space<vmem>> -> memref<128xi32, #tpu.memory_space<vmem>>
      %dma_wait3A_448 = arith.constant 0 : i32
      %dma_wait3A_449 = arith.constant 0 : i32
      %dma_wait3A_450 = tpu.memref_slice %arg2[%dma_wait3A_448, %dma_wait3A_449] : memref<1000000x128xf32, #tpu.memory_space<hbm>> -> memref<1000000x128xf32, #tpu.memory_space<hbm>>
      tpu.wait_indirect_dma semaphore(%arg10 : memref<!tpu.dma_semaphore, #tpu.memory_space<semaphore_mem>>) src(%dma_wait3A_450 : memref<1000000x128xf32, #tpu.memory_space<hbm>>) dst(%dma_wait3A_444 : memref<128x128xf32, #tpu.memory_space<vmem>>)
      %dma_start3A_451 = arith.constant 2 : i32
      %dma_start3A_452 = arith.constant 2 : i32
      %dma_start3A_453 = arith.constant 0 : i32
      %dma_start3A_454 = arith.constant 0 : i32
      %dma_start3A_455 = tpu.memref_slice %arg6[%dma_start3A_451, %dma_start3A_453, %dma_start3A_454] : memref<3x128x128xf32, #tpu.memory_space<vmem>> -> memref<1x128x128xf32, #tpu.memory_space<vmem>>
      %dma_start3A_456 = tpu.memref_squeeze %dma_start3A_455 : memref<1x128x128xf32, #tpu.memory_space<vmem>> -> memref<128x128xf32, #tpu.memory_space<vmem>>
      %dma_start3A_457 = arith.constant 0 : i32
      %dma_start3A_458 = arith.constant 0 : i32
      %dma_start3A_459 = tpu.memref_slice %arg7[%arg1, %dma_start3A_452, %dma_start3A_457, %dma_start3A_458] : memref<16x3x128x128xf32, #tpu.memory_space<vmem_shared>> -> memref<1x1x128x128xf32, #tpu.memory_space<vmem_shared>>
      %dma_start3A_460 = tpu.memref_squeeze %dma_start3A_459 : memref<1x1x128x128xf32, #tpu.memory_space<vmem_shared>> -> memref<128x128xf32, #tpu.memory_space<vmem_shared>>
      %dma_start3A_461 = arith.constant 0 : i32
      %dma_start3A_462 = arith.constant 0 : i32
      %dma_start3A_463 = tpu.memref_slice %arg7[%arg1, %dma_start3A_452, %dma_start3A_461, %dma_start3A_462] : memref<16x3x128x128xf32, #tpu.memory_space<vmem_shared>> -> memref<1x1x128x128xf32, #tpu.memory_space<vmem_shared>>
      %dma_start3A_464 = tpu.memref_squeeze %dma_start3A_463 : memref<1x1x128x128xf32, #tpu.memory_space<vmem_shared>> -> memref<128x128xf32, #tpu.memory_space<vmem_shared>>
      %dma_start3A_465 = arith.constant 0 : i32
      %dma_start3A_466 = arith.constant 0 : i32
      %dma_start3A_467 = tpu.memref_slice %arg6[%dma_start3A_451, %dma_start3A_465, %dma_start3A_466] : memref<3x128x128xf32, #tpu.memory_space<vmem>> -> memref<1x128x128xf32, #tpu.memory_space<vmem>>
      %dma_start3A_468 = tpu.memref_squeeze %dma_start3A_467 : memref<1x128x128xf32, #tpu.memory_space<vmem>> -> memref<128x128xf32, #tpu.memory_space<vmem>>
      tpu.enqueue_dma source(%dma_start3A_468 : memref<128x128xf32, #tpu.memory_space<vmem>>) target(%dma_start3A_464 : memref<128x128xf32, #tpu.memory_space<vmem_shared>>) target_semaphore(%arg13 : memref<!tpu.dma_semaphore, #tpu.memory_space<semaphore_mem>>)
      %dma_wait3A_469 = arith.constant 1 : i32
      %dma_wait3A_470 = arith.constant 1 : i32
      %dma_wait3A_471 = arith.constant 0 : i32
      %dma_wait3A_472 = arith.constant 0 : i32
      %dma_wait3A_473 = tpu.memref_slice %arg6[%dma_wait3A_469, %dma_wait3A_471, %dma_wait3A_472] : memref<3x128x128xf32, #tpu.memory_space<vmem>> -> memref<1x128x128xf32, #tpu.memory_space<vmem>>
      %dma_wait3A_474 = tpu.memref_squeeze %dma_wait3A_473 : memref<1x128x128xf32, #tpu.memory_space<vmem>> -> memref<128x128xf32, #tpu.memory_space<vmem>>
      %dma_wait3A_475 = arith.constant 0 : i32
      %dma_wait3A_476 = arith.constant 0 : i32
      %dma_wait3A_477 = tpu.memref_slice %arg7[%arg1, %dma_wait3A_470, %dma_wait3A_475, %dma_wait3A_476] : memref<16x3x128x128xf32, #tpu.memory_space<vmem_shared>> -> memref<1x1x128x128xf32, #tpu.memory_space<vmem_shared>>
      %dma_wait3A_478 = tpu.memref_squeeze %dma_wait3A_477 : memref<1x1x128x128xf32, #tpu.memory_space<vmem_shared>> -> memref<128x128xf32, #tpu.memory_space<vmem_shared>>
      %dma_wait3A_479 = arith.constant 0 : i32
      %dma_wait3A_480 = arith.constant 0 : i32
      %dma_wait3A_481 = tpu.memref_slice %arg7[%arg1, %dma_wait3A_470, %dma_wait3A_479, %dma_wait3A_480] : memref<16x3x128x128xf32, #tpu.memory_space<vmem_shared>> -> memref<1x1x128x128xf32, #tpu.memory_space<vmem_shared>>
      %dma_wait3A_482 = tpu.memref_squeeze %dma_wait3A_481 : memref<1x1x128x128xf32, #tpu.memory_space<vmem_shared>> -> memref<128x128xf32, #tpu.memory_space<vmem_shared>>
      %dma_wait3A_483 = arith.constant 0 : i32
      %dma_wait3A_484 = arith.constant 0 : i32
      %dma_wait3A_485 = tpu.memref_slice %arg6[%dma_wait3A_469, %dma_wait3A_483, %dma_wait3A_484] : memref<3x128x128xf32, #tpu.memory_space<vmem>> -> memref<1x128x128xf32, #tpu.memory_space<vmem>>
      %dma_wait3A_486 = tpu.memref_squeeze %dma_wait3A_485 : memref<1x128x128xf32, #tpu.memory_space<vmem>> -> memref<128x128xf32, #tpu.memory_space<vmem>>
      tpu.wait_dma2 semaphore(%arg12 : memref<!tpu.dma_semaphore, #tpu.memory_space<semaphore_mem>>) src(%dma_wait3A_486 : memref<128x128xf32, #tpu.memory_space<vmem>>) dst(%dma_wait3A_482 : memref<128x128xf32, #tpu.memory_space<vmem_shared>>)
      %sub3A = arith.constant 1 : i32
      %sub3A_487 = arith.subi %add3A_439, %sub3A : i32
      %mul3A_488 = arith.constant 200 : i32
      %mul3A_489 = arith.muli %add3A, %mul3A_488 : i32
      %add3A_490 = arith.addi %mul3A_489, %sub3A_487 : i32
      %dma_start3A_491 = arith.constant 1 : i32
      %dma_start3A_492 = arith.constant 0 : i32
      %dma_start3A_493 = arith.constant 0 : i32
      %dma_start3A_494 = tpu.memref_slice %arg4[%add3A_490, %dma_start3A_492, %dma_start3A_493] : memref<6400x128x128xf32, #tpu.memory_space<hbm>> -> memref<1x128x128xf32, #tpu.memory_space<hbm>>
      %dma_start3A_495 = tpu.memref_squeeze %dma_start3A_494 : memref<1x128x128xf32, #tpu.memory_space<hbm>> -> memref<128x128xf32, #tpu.memory_space<hbm>>
      %dma_start3A_496 = arith.constant 0 : i32
      %dma_start3A_497 = arith.constant 0 : i32
      %dma_start3A_498 = tpu.memref_slice %arg7[%arg1, %dma_start3A_491, %dma_start3A_496, %dma_start3A_497] : memref<16x3x128x128xf32, #tpu.memory_space<vmem_shared>> -> memref<1x1x128x128xf32, #tpu.memory_space<vmem_shared>>
      %dma_start3A_499 = tpu.memref_squeeze %dma_start3A_498 : memref<1x1x128x128xf32, #tpu.memory_space<vmem_shared>> -> memref<128x128xf32, #tpu.memory_space<vmem_shared>>
      tpu.enqueue_dma source(%dma_start3A_499 : memref<128x128xf32, #tpu.memory_space<vmem_shared>>) target(%dma_start3A_495 : memref<128x128xf32, #tpu.memory_space<hbm>>) target_semaphore(%arg15 : memref<!tpu.dma_semaphore, #tpu.memory_space<semaphore_mem>>)
      %sub3A_500 = arith.constant 2 : i32
      %sub3A_501 = arith.subi %add3A_439, %sub3A_500 : i32
      %mul3A_502 = arith.constant 200 : i32
      %mul3A_503 = arith.muli %add3A, %mul3A_502 : i32
      %add3A_504 = arith.addi %mul3A_503, %sub3A_501 : i32
      %dma_wait3A_505 = arith.constant 0 : i32
      %dma_wait3A_506 = arith.constant 0 : i32
      %dma_wait3A_507 = arith.constant 0 : i32
      %dma_wait3A_508 = tpu.memref_slice %arg4[%add3A_504, %dma_wait3A_506, %dma_wait3A_507] : memref<6400x128x128xf32, #tpu.memory_space<hbm>> -> memref<1x128x128xf32, #tpu.memory_space<hbm>>
      %dma_wait3A_509 = tpu.memref_squeeze %dma_wait3A_508 : memref<1x128x128xf32, #tpu.memory_space<hbm>> -> memref<128x128xf32, #tpu.memory_space<hbm>>
      %dma_wait3A_510 = arith.constant 0 : i32
      %dma_wait3A_511 = arith.constant 0 : i32
      %dma_wait3A_512 = tpu.memref_slice %arg7[%arg1, %dma_wait3A_505, %dma_wait3A_510, %dma_wait3A_511] : memref<16x3x128x128xf32, #tpu.memory_space<vmem_shared>> -> memref<1x1x128x128xf32, #tpu.memory_space<vmem_shared>>
      %dma_wait3A_513 = tpu.memref_squeeze %dma_wait3A_512 : memref<1x1x128x128xf32, #tpu.memory_space<vmem_shared>> -> memref<128x128xf32, #tpu.memory_space<vmem_shared>>
      tpu.wait_dma2 semaphore(%arg14 : memref<!tpu.dma_semaphore, #tpu.memory_space<semaphore_mem>>) src(%dma_wait3A_513 : memref<128x128xf32, #tpu.memory_space<vmem_shared>>) dst(%dma_wait3A_509 : memref<128x128xf32, #tpu.memory_space<hbm>>)
      %add3A_514 = arith.constant 2 : i32
      %add3A_515 = arith.addi %add3A_439, %add3A_514 : i32
      %dma_start3A_516 = arith.constant 1 : i32
      %dma_start3A_517 = arith.constant 0 : i32
      %dma_start3A_518 = arith.constant 0 : i32
      %dma_start3A_519 = tpu.memref_slice %arg6[%dma_start3A_516, %dma_start3A_517, %dma_start3A_518] : memref<3x128x128xf32, #tpu.memory_space<vmem>> -> memref<1x128x128xf32, #tpu.memory_space<vmem>>
      %dma_start3A_520 = tpu.memref_squeeze %dma_start3A_519 : memref<1x128x128xf32, #tpu.memory_space<vmem>> -> memref<128x128xf32, #tpu.memory_space<vmem>>
      %dma_start3A_521 = arith.constant 0 : i32
      %dma_start3A_522 = tpu.memref_slice %arg5[%add3A_515, %dma_start3A_521] : memref<200x128xi32, #tpu.memory_space<vmem>> -> memref<1x128xi32, #tpu.memory_space<vmem>>
      %dma_start3A_523 = tpu.memref_squeeze %dma_start3A_522 : memref<1x128xi32, #tpu.memory_space<vmem>> -> memref<128xi32, #tpu.memory_space<vmem>>
      %dma_start3A_524 = arith.constant 0 : i32
      %dma_start3A_525 = arith.constant 0 : i32
      %dma_start3A_526 = tpu.memref_slice %arg2[%dma_start3A_524, %dma_start3A_525] : memref<1000000x128xf32, #tpu.memory_space<hbm>> -> memref<1000000x128xf32, #tpu.memory_space<hbm>>
      tpu.enqueue_indirect_dma source(%dma_start3A_526 : memref<1000000x128xf32, #tpu.memory_space<hbm>>) target(%dma_start3A_520 : memref<128x128xf32, #tpu.memory_space<vmem>>) offsets(%dma_start3A_523 : memref<128xi32, #tpu.memory_space<vmem>>) semaphore(%arg9 : memref<!tpu.dma_semaphore, #tpu.memory_space<semaphore_mem>>)
      %add3A_527 = arith.constant 1 : i32
      %add3A_528 = arith.addi %add3A_437, %add3A_527 : i32
      %dma_wait3A_529 = arith.constant 0 : i32
      %dma_wait3A_530 = arith.constant 0 : i32
      %dma_wait3A_531 = arith.constant 0 : i32
      %dma_wait3A_532 = tpu.memref_slice %arg6[%dma_wait3A_529, %dma_wait3A_530, %dma_wait3A_531] : memref<3x128x128xf32, #tpu.memory_space<vmem>> -> memref<1x128x128xf32, #tpu.memory_space<vmem>>
      %dma_wait3A_533 = tpu.memref_squeeze %dma_wait3A_532 : memref<1x128x128xf32, #tpu.memory_space<vmem>> -> memref<128x128xf32, #tpu.memory_space<vmem>>
      %dma_wait3A_534 = arith.constant 0 : i32
      %dma_wait3A_535 = tpu.memref_slice %arg5[%add3A_528, %dma_wait3A_534] : memref<200x128xi32, #tpu.memory_space<vmem>> -> memref<1x128xi32, #tpu.memory_space<vmem>>
      %dma_wait3A_536 = tpu.memref_squeeze %dma_wait3A_535 : memref<1x128xi32, #tpu.memory_space<vmem>> -> memref<128xi32, #tpu.memory_space<vmem>>
      %dma_wait3A_537 = arith.constant 0 : i32
      %dma_wait3A_538 = arith.constant 0 : i32
      %dma_wait3A_539 = tpu.memref_slice %arg2[%dma_wait3A_537, %dma_wait3A_538] : memref<1000000x128xf32, #tpu.memory_space<hbm>> -> memref<1000000x128xf32, #tpu.memory_space<hbm>>
      tpu.wait_indirect_dma semaphore(%arg8 : memref<!tpu.dma_semaphore, #tpu.memory_space<semaphore_mem>>) src(%dma_wait3A_539 : memref<1000000x128xf32, #tpu.memory_space<hbm>>) dst(%dma_wait3A_533 : memref<128x128xf32, #tpu.memory_space<vmem>>)
      %dma_start3A_540 = arith.constant 0 : i32
      %dma_start3A_541 = arith.constant 0 : i32
      %dma_start3A_542 = arith.constant 0 : i32
      %dma_start3A_543 = arith.constant 0 : i32
      %dma_start3A_544 = tpu.memref_slice %arg6[%dma_start3A_540, %dma_start3A_542, %dma_start3A_543] : memref<3x128x128xf32, #tpu.memory_space<vmem>> -> memref<1x128x128xf32, #tpu.memory_space<vmem>>
      %dma_start3A_545 = tpu.memref_squeeze %dma_start3A_544 : memref<1x128x128xf32, #tpu.memory_space<vmem>> -> memref<128x128xf32, #tpu.memory_space<vmem>>
      %dma_start3A_546 = arith.constant 0 : i32
      %dma_start3A_547 = arith.constant 0 : i32
      %dma_start3A_548 = tpu.memref_slice %arg7[%arg1, %dma_start3A_541, %dma_start3A_546, %dma_start3A_547] : memref<16x3x128x128xf32, #tpu.memory_space<vmem_shared>> -> memref<1x1x128x128xf32, #tpu.memory_space<vmem_shared>>
      %dma_start3A_549 = tpu.memref_squeeze %dma_start3A_548 : memref<1x1x128x128xf32, #tpu.memory_space<vmem_shared>> -> memref<128x128xf32, #tpu.memory_space<vmem_shared>>
      %dma_start3A_550 = arith.constant 0 : i32
      %dma_start3A_551 = arith.constant 0 : i32
      %dma_start3A_552 = tpu.memref_slice %arg7[%arg1, %dma_start3A_541, %dma_start3A_550, %dma_start3A_551] : memref<16x3x128x128xf32, #tpu.memory_space<vmem_shared>> -> memref<1x1x128x128xf32, #tpu.memory_space<vmem_shared>>
      %dma_start3A_553 = tpu.memref_squeeze %dma_start3A_552 : memref<1x1x128x128xf32, #tpu.memory_space<vmem_shared>> -> memref<128x128xf32, #tpu.memory_space<vmem_shared>>
      %dma_start3A_554 = arith.constant 0 : i32
      %dma_start3A_555 = arith.constant 0 : i32
      %dma_start3A_556 = tpu.memref_slice %arg6[%dma_start3A_540, %dma_start3A_554, %dma_start3A_555] : memref<3x128x128xf32, #tpu.memory_space<vmem>> -> memref<1x128x128xf32, #tpu.memory_space<vmem>>
      %dma_start3A_557 = tpu.memref_squeeze %dma_start3A_556 : memref<1x128x128xf32, #tpu.memory_space<vmem>> -> memref<128x128xf32, #tpu.memory_space<vmem>>
      tpu.enqueue_dma source(%dma_start3A_557 : memref<128x128xf32, #tpu.memory_space<vmem>>) target(%dma_start3A_553 : memref<128x128xf32, #tpu.memory_space<vmem_shared>>) target_semaphore(%arg11 : memref<!tpu.dma_semaphore, #tpu.memory_space<semaphore_mem>>)
      %dma_wait3A_558 = arith.constant 2 : i32
      %dma_wait3A_559 = arith.constant 2 : i32
      %dma_wait3A_560 = arith.constant 0 : i32
      %dma_wait3A_561 = arith.constant 0 : i32
      %dma_wait3A_562 = tpu.memref_slice %arg6[%dma_wait3A_558, %dma_wait3A_560, %dma_wait3A_561] : memref<3x128x128xf32, #tpu.memory_space<vmem>> -> memref<1x128x128xf32, #tpu.memory_space<vmem>>
      %dma_wait3A_563 = tpu.memref_squeeze %dma_wait3A_562 : memref<1x128x128xf32, #tpu.memory_space<vmem>> -> memref<128x128xf32, #tpu.memory_space<vmem>>
      %dma_wait3A_564 = arith.constant 0 : i32
      %dma_wait3A_565 = arith.constant 0 : i32
      %dma_wait3A_566 = tpu.memref_slice %arg7[%arg1, %dma_wait3A_559, %dma_wait3A_564, %dma_wait3A_565] : memref<16x3x128x128xf32, #tpu.memory_space<vmem_shared>> -> memref<1x1x128x128xf32, #tpu.memory_space<vmem_shared>>
      %dma_wait3A_567 = tpu.memref_squeeze %dma_wait3A_566 : memref<1x1x128x128xf32, #tpu.memory_space<vmem_shared>> -> memref<128x128xf32, #tpu.memory_space<vmem_shared>>
      %dma_wait3A_568 = arith.constant 0 : i32
      %dma_wait3A_569 = arith.constant 0 : i32
      %dma_wait3A_570 = tpu.memref_slice %arg7[%arg1, %dma_wait3A_559, %dma_wait3A_568, %dma_wait3A_569] : memref<16x3x128x128xf32, #tpu.memory_space<vmem_shared>> -> memref<1x1x128x128xf32, #tpu.memory_space<vmem_shared>>
      %dma_wait3A_571 = tpu.memref_squeeze %dma_wait3A_570 : memref<1x1x128x128xf32, #tpu.memory_space<vmem_shared>> -> memref<128x128xf32, #tpu.memory_space<vmem_shared>>
      %dma_wait3A_572 = arith.constant 0 : i32
      %dma_wait3A_573 = arith.constant 0 : i32
      %dma_wait3A_574 = tpu.memref_slice %arg6[%dma_wait3A_558, %dma_wait3A_572, %dma_wait3A_573] : memref<3x128x128xf32, #tpu.memory_space<vmem>> -> memref<1x128x128xf32, #tpu.memory_space<vmem>>
      %dma_wait3A_575 = tpu.memref_squeeze %dma_wait3A_574 : memref<1x128x128xf32, #tpu.memory_space<vmem>> -> memref<128x128xf32, #tpu.memory_space<vmem>>
      tpu.wait_dma2 semaphore(%arg13 : memref<!tpu.dma_semaphore, #tpu.memory_space<semaphore_mem>>) src(%dma_wait3A_575 : memref<128x128xf32, #tpu.memory_space<vmem>>) dst(%dma_wait3A_571 : memref<128x128xf32, #tpu.memory_space<vmem_shared>>)
      %sub3A_576 = arith.constant 1 : i32
      %sub3A_577 = arith.subi %add3A_528, %sub3A_576 : i32
      %mul3A_578 = arith.constant 200 : i32
      %mul3A_579 = arith.muli %add3A, %mul3A_578 : i32
      %add3A_580 = arith.addi %mul3A_579, %sub3A_577 : i32
      %dma_start3A_581 = arith.constant 2 : i32
      %dma_start3A_582 = arith.constant 0 : i32
      %dma_start3A_583 = arith.constant 0 : i32
      %dma_start3A_584 = tpu.memref_slice %arg4[%add3A_580, %dma_start3A_582, %dma_start3A_583] : memref<6400x128x128xf32, #tpu.memory_space<hbm>> -> memref<1x128x128xf32, #tpu.memory_space<hbm>>
      %dma_start3A_585 = tpu.memref_squeeze %dma_start3A_584 : memref<1x128x128xf32, #tpu.memory_space<hbm>> -> memref<128x128xf32, #tpu.memory_space<hbm>>
      %dma_start3A_586 = arith.constant 0 : i32
      %dma_start3A_587 = arith.constant 0 : i32
      %dma_start3A_588 = tpu.memref_slice %arg7[%arg1, %dma_start3A_581, %dma_start3A_586, %dma_start3A_587] : memref<16x3x128x128xf32, #tpu.memory_space<vmem_shared>> -> memref<1x1x128x128xf32, #tpu.memory_space<vmem_shared>>
      %dma_start3A_589 = tpu.memref_squeeze %dma_start3A_588 : memref<1x1x128x128xf32, #tpu.memory_space<vmem_shared>> -> memref<128x128xf32, #tpu.memory_space<vmem_shared>>
      tpu.enqueue_dma source(%dma_start3A_589 : memref<128x128xf32, #tpu.memory_space<vmem_shared>>) target(%dma_start3A_585 : memref<128x128xf32, #tpu.memory_space<hbm>>) target_semaphore(%arg16 : memref<!tpu.dma_semaphore, #tpu.memory_space<semaphore_mem>>)
      %sub3A_590 = arith.constant 2 : i32
      %sub3A_591 = arith.subi %add3A_528, %sub3A_590 : i32
      %mul3A_592 = arith.constant 200 : i32
      %mul3A_593 = arith.muli %add3A, %mul3A_592 : i32
      %add3A_594 = arith.addi %mul3A_593, %sub3A_591 : i32
      %dma_wait3A_595 = arith.constant 1 : i32
      %dma_wait3A_596 = arith.constant 0 : i32
      %dma_wait3A_597 = arith.constant 0 : i32
      %dma_wait3A_598 = tpu.memref_slice %arg4[%add3A_594, %dma_wait3A_596, %dma_wait3A_597] : memref<6400x128x128xf32, #tpu.memory_space<hbm>> -> memref<1x128x128xf32, #tpu.memory_space<hbm>>
      %dma_wait3A_599 = tpu.memref_squeeze %dma_wait3A_598 : memref<1x128x128xf32, #tpu.memory_space<hbm>> -> memref<128x128xf32, #tpu.memory_space<hbm>>
      %dma_wait3A_600 = arith.constant 0 : i32
      %dma_wait3A_601 = arith.constant 0 : i32
      %dma_wait3A_602 = tpu.memref_slice %arg7[%arg1, %dma_wait3A_595, %dma_wait3A_600, %dma_wait3A_601] : memref<16x3x128x128xf32, #tpu.memory_space<vmem_shared>> -> memref<1x1x128x128xf32, #tpu.memory_space<vmem_shared>>
      %dma_wait3A_603 = tpu.memref_squeeze %dma_wait3A_602 : memref<1x1x128x128xf32, #tpu.memory_space<vmem_shared>> -> memref<128x128xf32, #tpu.memory_space<vmem_shared>>
      tpu.wait_dma2 semaphore(%arg15 : memref<!tpu.dma_semaphore, #tpu.memory_space<semaphore_mem>>) src(%dma_wait3A_603 : memref<128x128xf32, #tpu.memory_space<vmem_shared>>) dst(%dma_wait3A_599 : memref<128x128xf32, #tpu.memory_space<hbm>>)
      %add3A_604 = arith.constant 2 : i32
      %add3A_605 = arith.addi %add3A_528, %add3A_604 : i32
      %dma_start3A_606 = arith.constant 2 : i32
      %dma_start3A_607 = arith.constant 0 : i32
      %dma_start3A_608 = arith.constant 0 : i32
      %dma_start3A_609 = tpu.memref_slice %arg6[%dma_start3A_606, %dma_start3A_607, %dma_start3A_608] : memref<3x128x128xf32, #tpu.memory_space<vmem>> -> memref<1x128x128xf32, #tpu.memory_space<vmem>>
      %dma_start3A_610 = tpu.memref_squeeze %dma_start3A_609 : memref<1x128x128xf32, #tpu.memory_space<vmem>> -> memref<128x128xf32, #tpu.memory_space<vmem>>
      %dma_start3A_611 = arith.constant 0 : i32
      %dma_start3A_612 = tpu.memref_slice %arg5[%add3A_605, %dma_start3A_611] : memref<200x128xi32, #tpu.memory_space<vmem>> -> memref<1x128xi32, #tpu.memory_space<vmem>>
      %dma_start3A_613 = tpu.memref_squeeze %dma_start3A_612 : memref<1x128xi32, #tpu.memory_space<vmem>> -> memref<128xi32, #tpu.memory_space<vmem>>
      %dma_start3A_614 = arith.constant 0 : i32
      %dma_start3A_615 = arith.constant 0 : i32
      %dma_start3A_616 = tpu.memref_slice %arg2[%dma_start3A_614, %dma_start3A_615] : memref<1000000x128xf32, #tpu.memory_space<hbm>> -> memref<1000000x128xf32, #tpu.memory_space<hbm>>
      tpu.enqueue_indirect_dma source(%dma_start3A_616 : memref<1000000x128xf32, #tpu.memory_space<hbm>>) target(%dma_start3A_610 : memref<128x128xf32, #tpu.memory_space<vmem>>) offsets(%dma_start3A_613 : memref<128xi32, #tpu.memory_space<vmem>>) semaphore(%arg10 : memref<!tpu.dma_semaphore, #tpu.memory_space<semaphore_mem>>)
      %add3A_617 = arith.constant 2 : i32
      %add3A_618 = arith.addi %add3A_437, %add3A_617 : i32
      %dma_wait3A_619 = arith.constant 1 : i32
      %dma_wait3A_620 = arith.constant 0 : i32
      %dma_wait3A_621 = arith.constant 0 : i32
      %dma_wait3A_622 = tpu.memref_slice %arg6[%dma_wait3A_619, %dma_wait3A_620, %dma_wait3A_621] : memref<3x128x128xf32, #tpu.memory_space<vmem>> -> memref<1x128x128xf32, #tpu.memory_space<vmem>>
      %dma_wait3A_623 = tpu.memref_squeeze %dma_wait3A_622 : memref<1x128x128xf32, #tpu.memory_space<vmem>> -> memref<128x128xf32, #tpu.memory_space<vmem>>
      %dma_wait3A_624 = arith.constant 0 : i32
      %dma_wait3A_625 = tpu.memref_slice %arg5[%add3A_618, %dma_wait3A_624] : memref<200x128xi32, #tpu.memory_space<vmem>> -> memref<1x128xi32, #tpu.memory_space<vmem>>
      %dma_wait3A_626 = tpu.memref_squeeze %dma_wait3A_625 : memref<1x128xi32, #tpu.memory_space<vmem>> -> memref<128xi32, #tpu.memory_space<vmem>>
      %dma_wait3A_627 = arith.constant 0 : i32
      %dma_wait3A_628 = arith.constant 0 : i32
      %dma_wait3A_629 = tpu.memref_slice %arg2[%dma_wait3A_627, %dma_wait3A_628] : memref<1000000x128xf32, #tpu.memory_space<hbm>> -> memref<1000000x128xf32, #tpu.memory_space<hbm>>
      tpu.wait_indirect_dma semaphore(%arg9 : memref<!tpu.dma_semaphore, #tpu.memory_space<semaphore_mem>>) src(%dma_wait3A_629 : memref<1000000x128xf32, #tpu.memory_space<hbm>>) dst(%dma_wait3A_623 : memref<128x128xf32, #tpu.memory_space<vmem>>)
      %dma_start3A_630 = arith.constant 1 : i32
      %dma_start3A_631 = arith.constant 1 : i32
      %dma_start3A_632 = arith.constant 0 : i32
      %dma_start3A_633 = arith.constant 0 : i32
      %dma_start3A_634 = tpu.memref_slice %arg6[%dma_start3A_630, %dma_start3A_632, %dma_start3A_633] : memref<3x128x128xf32, #tpu.memory_space<vmem>> -> memref<1x128x128xf32, #tpu.memory_space<vmem>>
      %dma_start3A_635 = tpu.memref_squeeze %dma_start3A_634 : memref<1x128x128xf32, #tpu.memory_space<vmem>> -> memref<128x128xf32, #tpu.memory_space<vmem>>
      %dma_start3A_636 = arith.constant 0 : i32
      %dma_start3A_637 = arith.constant 0 : i32
      %dma_start3A_638 = tpu.memref_slice %arg7[%arg1, %dma_start3A_631, %dma_start3A_636, %dma_start3A_637] : memref<16x3x128x128xf32, #tpu.memory_space<vmem_shared>> -> memref<1x1x128x128xf32, #tpu.memory_space<vmem_shared>>
      %dma_start3A_639 = tpu.memref_squeeze %dma_start3A_638 : memref<1x1x128x128xf32, #tpu.memory_space<vmem_shared>> -> memref<128x128xf32, #tpu.memory_space<vmem_shared>>
      %dma_start3A_640 = arith.constant 0 : i32
      %dma_start3A_641 = arith.constant 0 : i32
      %dma_start3A_642 = tpu.memref_slice %arg7[%arg1, %dma_start3A_631, %dma_start3A_640, %dma_start3A_641] : memref<16x3x128x128xf32, #tpu.memory_space<vmem_shared>> -> memref<1x1x128x128xf32, #tpu.memory_space<vmem_shared>>
      %dma_start3A_643 = tpu.memref_squeeze %dma_start3A_642 : memref<1x1x128x128xf32, #tpu.memory_space<vmem_shared>> -> memref<128x128xf32, #tpu.memory_space<vmem_shared>>
      %dma_start3A_644 = arith.constant 0 : i32
      %dma_start3A_645 = arith.constant 0 : i32
      %dma_start3A_646 = tpu.memref_slice %arg6[%dma_start3A_630, %dma_start3A_644, %dma_start3A_645] : memref<3x128x128xf32, #tpu.memory_space<vmem>> -> memref<1x128x128xf32, #tpu.memory_space<vmem>>
      %dma_start3A_647 = tpu.memref_squeeze %dma_start3A_646 : memref<1x128x128xf32, #tpu.memory_space<vmem>> -> memref<128x128xf32, #tpu.memory_space<vmem>>
      tpu.enqueue_dma source(%dma_start3A_647 : memref<128x128xf32, #tpu.memory_space<vmem>>) target(%dma_start3A_643 : memref<128x128xf32, #tpu.memory_space<vmem_shared>>) target_semaphore(%arg12 : memref<!tpu.dma_semaphore, #tpu.memory_space<semaphore_mem>>)
      %dma_wait3A_648 = arith.constant 0 : i32
      %dma_wait3A_649 = arith.constant 0 : i32
      %dma_wait3A_650 = arith.constant 0 : i32
      %dma_wait3A_651 = arith.constant 0 : i32
      %dma_wait3A_652 = tpu.memref_slice %arg6[%dma_wait3A_648, %dma_wait3A_650, %dma_wait3A_651] : memref<3x128x128xf32, #tpu.memory_space<vmem>> -> memref<1x128x128xf32, #tpu.memory_space<vmem>>
      %dma_wait3A_653 = tpu.memref_squeeze %dma_wait3A_652 : memref<1x128x128xf32, #tpu.memory_space<vmem>> -> memref<128x128xf32, #tpu.memory_space<vmem>>
      %dma_wait3A_654 = arith.constant 0 : i32
      %dma_wait3A_655 = arith.constant 0 : i32
      %dma_wait3A_656 = tpu.memref_slice %arg7[%arg1, %dma_wait3A_649, %dma_wait3A_654, %dma_wait3A_655] : memref<16x3x128x128xf32, #tpu.memory_space<vmem_shared>> -> memref<1x1x128x128xf32, #tpu.memory_space<vmem_shared>>
      %dma_wait3A_657 = tpu.memref_squeeze %dma_wait3A_656 : memref<1x1x128x128xf32, #tpu.memory_space<vmem_shared>> -> memref<128x128xf32, #tpu.memory_space<vmem_shared>>
      %dma_wait3A_658 = arith.constant 0 : i32
      %dma_wait3A_659 = arith.constant 0 : i32
      %dma_wait3A_660 = tpu.memref_slice %arg7[%arg1, %dma_wait3A_649, %dma_wait3A_658, %dma_wait3A_659] : memref<16x3x128x128xf32, #tpu.memory_space<vmem_shared>> -> memref<1x1x128x128xf32, #tpu.memory_space<vmem_shared>>
      %dma_wait3A_661 = tpu.memref_squeeze %dma_wait3A_660 : memref<1x1x128x128xf32, #tpu.memory_space<vmem_shared>> -> memref<128x128xf32, #tpu.memory_space<vmem_shared>>
      %dma_wait3A_662 = arith.constant 0 : i32
      %dma_wait3A_663 = arith.constant 0 : i32
      %dma_wait3A_664 = tpu.memref_slice %arg6[%dma_wait3A_648, %dma_wait3A_662, %dma_wait3A_663] : memref<3x128x128xf32, #tpu.memory_space<vmem>> -> memref<1x128x128xf32, #tpu.memory_space<vmem>>
      %dma_wait3A_665 = tpu.memref_squeeze %dma_wait3A_664 : memref<1x128x128xf32, #tpu.memory_space<vmem>> -> memref<128x128xf32, #tpu.memory_space<vmem>>
      tpu.wait_dma2 semaphore(%arg11 : memref<!tpu.dma_semaphore, #tpu.memory_space<semaphore_mem>>) src(%dma_wait3A_665 : memref<128x128xf32, #tpu.memory_space<vmem>>) dst(%dma_wait3A_661 : memref<128x128xf32, #tpu.memory_space<vmem_shared>>)
      %sub3A_666 = arith.constant 1 : i32
      %sub3A_667 = arith.subi %add3A_618, %sub3A_666 : i32
      %mul3A_668 = arith.constant 200 : i32
      %mul3A_669 = arith.muli %add3A, %mul3A_668 : i32
      %add3A_670 = arith.addi %mul3A_669, %sub3A_667 : i32
      %dma_start3A_671 = arith.constant 0 : i32
      %dma_start3A_672 = arith.constant 0 : i32
      %dma_start3A_673 = arith.constant 0 : i32
      %dma_start3A_674 = tpu.memref_slice %arg4[%add3A_670, %dma_start3A_672, %dma_start3A_673] : memref<6400x128x128xf32, #tpu.memory_space<hbm>> -> memref<1x128x128xf32, #tpu.memory_space<hbm>>
      %dma_start3A_675 = tpu.memref_squeeze %dma_start3A_674 : memref<1x128x128xf32, #tpu.memory_space<hbm>> -> memref<128x128xf32, #tpu.memory_space<hbm>>
      %dma_start3A_676 = arith.constant 0 : i32
      %dma_start3A_677 = arith.constant 0 : i32
      %dma_start3A_678 = tpu.memref_slice %arg7[%arg1, %dma_start3A_671, %dma_start3A_676, %dma_start3A_677] : memref<16x3x128x128xf32, #tpu.memory_space<vmem_shared>> -> memref<1x1x128x128xf32, #tpu.memory_space<vmem_shared>>
      %dma_start3A_679 = tpu.memref_squeeze %dma_start3A_678 : memref<1x1x128x128xf32, #tpu.memory_space<vmem_shared>> -> memref<128x128xf32, #tpu.memory_space<vmem_shared>>
      tpu.enqueue_dma source(%dma_start3A_679 : memref<128x128xf32, #tpu.memory_space<vmem_shared>>) target(%dma_start3A_675 : memref<128x128xf32, #tpu.memory_space<hbm>>) target_semaphore(%arg14 : memref<!tpu.dma_semaphore, #tpu.memory_space<semaphore_mem>>)
      %sub3A_680 = arith.constant 2 : i32
      %sub3A_681 = arith.subi %add3A_618, %sub3A_680 : i32
      %mul3A_682 = arith.constant 200 : i32
      %mul3A_683 = arith.muli %add3A, %mul3A_682 : i32
      %add3A_684 = arith.addi %mul3A_683, %sub3A_681 : i32
      %dma_wait3A_685 = arith.constant 2 : i32
      %dma_wait3A_686 = arith.constant 0 : i32
      %dma_wait3A_687 = arith.constant 0 : i32
      %dma_wait3A_688 = tpu.memref_slice %arg4[%add3A_684, %dma_wait3A_686, %dma_wait3A_687] : memref<6400x128x128xf32, #tpu.memory_space<hbm>> -> memref<1x128x128xf32, #tpu.memory_space<hbm>>
      %dma_wait3A_689 = tpu.memref_squeeze %dma_wait3A_688 : memref<1x128x128xf32, #tpu.memory_space<hbm>> -> memref<128x128xf32, #tpu.memory_space<hbm>>
      %dma_wait3A_690 = arith.constant 0 : i32
      %dma_wait3A_691 = arith.constant 0 : i32
      %dma_wait3A_692 = tpu.memref_slice %arg7[%arg1, %dma_wait3A_685, %dma_wait3A_690, %dma_wait3A_691] : memref<16x3x128x128xf32, #tpu.memory_space<vmem_shared>> -> memref<1x1x128x128xf32, #tpu.memory_space<vmem_shared>>
      %dma_wait3A_693 = tpu.memref_squeeze %dma_wait3A_692 : memref<1x1x128x128xf32, #tpu.memory_space<vmem_shared>> -> memref<128x128xf32, #tpu.memory_space<vmem_shared>>
      tpu.wait_dma2 semaphore(%arg16 : memref<!tpu.dma_semaphore, #tpu.memory_space<semaphore_mem>>) src(%dma_wait3A_693 : memref<128x128xf32, #tpu.memory_space<vmem_shared>>) dst(%dma_wait3A_689 : memref<128x128xf32, #tpu.memory_space<hbm>>)
      %add3A_694 = arith.constant 2 : i32
      %add3A_695 = arith.addi %add3A_618, %add3A_694 : i32
      %dma_start3A_696 = arith.constant 0 : i32
      %dma_start3A_697 = arith.constant 0 : i32
      %dma_start3A_698 = arith.constant 0 : i32
      %dma_start3A_699 = tpu.memref_slice %arg6[%dma_start3A_696, %dma_start3A_697, %dma_start3A_698] : memref<3x128x128xf32, #tpu.memory_space<vmem>> -> memref<1x128x128xf32, #tpu.memory_space<vmem>>
      %dma_start3A_700 = tpu.memref_squeeze %dma_start3A_699 : memref<1x128x128xf32, #tpu.memory_space<vmem>> -> memref<128x128xf32, #tpu.memory_space<vmem>>
      %dma_start3A_701 = arith.constant 0 : i32
      %dma_start3A_702 = tpu.memref_slice %arg5[%add3A_695, %dma_start3A_701] : memref<200x128xi32, #tpu.memory_space<vmem>> -> memref<1x128xi32, #tpu.memory_space<vmem>>
      %dma_start3A_703 = tpu.memref_squeeze %dma_start3A_702 : memref<1x128xi32, #tpu.memory_space<vmem>> -> memref<128xi32, #tpu.memory_space<vmem>>
      %dma_start3A_704 = arith.constant 0 : i32
      %dma_start3A_705 = arith.constant 0 : i32
      %dma_start3A_706 = tpu.memref_slice %arg2[%dma_start3A_704, %dma_start3A_705] : memref<1000000x128xf32, #tpu.memory_space<hbm>> -> memref<1000000x128xf32, #tpu.memory_space<hbm>>
      tpu.enqueue_indirect_dma source(%dma_start3A_706 : memref<1000000x128xf32, #tpu.memory_space<hbm>>) target(%dma_start3A_700 : memref<128x128xf32, #tpu.memory_space<vmem>>) offsets(%dma_start3A_703 : memref<128xi32, #tpu.memory_space<vmem>>) semaphore(%arg8 : memref<!tpu.dma_semaphore, #tpu.memory_space<semaphore_mem>>)
    }
    %scan3A_141 = arith.constant 65 : i32
    %dma_wait3A_142 = arith.constant 197 : i32
    %dma_wait3A_143 = arith.constant 2 : i32
    %dma_wait3A_144 = arith.constant 0 : i32
    %dma_wait3A_145 = arith.constant 0 : i32
    %dma_wait3A_146 = tpu.memref_slice %arg6[%dma_wait3A_143, %dma_wait3A_144, %dma_wait3A_145] : memref<3x128x128xf32, #tpu.memory_space<vmem>> -> memref<1x128x128xf32, #tpu.memory_space<vmem>>
    %dma_wait3A_147 = tpu.memref_squeeze %dma_wait3A_146 : memref<1x128x128xf32, #tpu.memory_space<vmem>> -> memref<128x128xf32, #tpu.memory_space<vmem>>
    %dma_wait3A_148 = arith.constant 0 : i32
    %dma_wait3A_149 = tpu.memref_slice %arg5[%dma_wait3A_142, %dma_wait3A_148] : memref<200x128xi32, #tpu.memory_space<vmem>> -> memref<1x128xi32, #tpu.memory_space<vmem>>
    %dma_wait3A_150 = tpu.memref_squeeze %dma_wait3A_149 : memref<1x128xi32, #tpu.memory_space<vmem>> -> memref<128xi32, #tpu.memory_space<vmem>>
    %dma_wait3A_151 = arith.constant 0 : i32
    %dma_wait3A_152 = arith.constant 0 : i32
    %dma_wait3A_153 = tpu.memref_slice %arg2[%dma_wait3A_151, %dma_wait3A_152] : memref<1000000x128xf32, #tpu.memory_space<hbm>> -> memref<1000000x128xf32, #tpu.memory_space<hbm>>
    tpu.wait_indirect_dma semaphore(%arg10 : memref<!tpu.dma_semaphore, #tpu.memory_space<semaphore_mem>>) src(%dma_wait3A_153 : memref<1000000x128xf32, #tpu.memory_space<hbm>>) dst(%dma_wait3A_147 : memref<128x128xf32, #tpu.memory_space<vmem>>)
    %dma_start3A_154 = arith.constant 2 : i32
    %dma_start3A_155 = arith.constant 2 : i32
    %dma_start3A_156 = arith.constant 0 : i32
    %dma_start3A_157 = arith.constant 0 : i32
    %dma_start3A_158 = tpu.memref_slice %arg6[%dma_start3A_154, %dma_start3A_156, %dma_start3A_157] : memref<3x128x128xf32, #tpu.memory_space<vmem>> -> memref<1x128x128xf32, #tpu.memory_space<vmem>>
    %dma_start3A_159 = tpu.memref_squeeze %dma_start3A_158 : memref<1x128x128xf32, #tpu.memory_space<vmem>> -> memref<128x128xf32, #tpu.memory_space<vmem>>
    %dma_start3A_160 = arith.constant 0 : i32
    %dma_start3A_161 = arith.constant 0 : i32
    %dma_start3A_162 = tpu.memref_slice %arg7[%arg1, %dma_start3A_155, %dma_start3A_160, %dma_start3A_161] : memref<16x3x128x128xf32, #tpu.memory_space<vmem_shared>> -> memref<1x1x128x128xf32, #tpu.memory_space<vmem_shared>>
    %dma_start3A_163 = tpu.memref_squeeze %dma_start3A_162 : memref<1x1x128x128xf32, #tpu.memory_space<vmem_shared>> -> memref<128x128xf32, #tpu.memory_space<vmem_shared>>
    %dma_start3A_164 = arith.constant 0 : i32
    %dma_start3A_165 = arith.constant 0 : i32
    %dma_start3A_166 = tpu.memref_slice %arg7[%arg1, %dma_start3A_155, %dma_start3A_164, %dma_start3A_165] : memref<16x3x128x128xf32, #tpu.memory_space<vmem_shared>> -> memref<1x1x128x128xf32, #tpu.memory_space<vmem_shared>>
    %dma_start3A_167 = tpu.memref_squeeze %dma_start3A_166 : memref<1x1x128x128xf32, #tpu.memory_space<vmem_shared>> -> memref<128x128xf32, #tpu.memory_space<vmem_shared>>
    %dma_start3A_168 = arith.constant 0 : i32
    %dma_start3A_169 = arith.constant 0 : i32
    %dma_start3A_170 = tpu.memref_slice %arg6[%dma_start3A_154, %dma_start3A_168, %dma_start3A_169] : memref<3x128x128xf32, #tpu.memory_space<vmem>> -> memref<1x128x128xf32, #tpu.memory_space<vmem>>
    %dma_start3A_171 = tpu.memref_squeeze %dma_start3A_170 : memref<1x128x128xf32, #tpu.memory_space<vmem>> -> memref<128x128xf32, #tpu.memory_space<vmem>>
    tpu.enqueue_dma source(%dma_start3A_171 : memref<128x128xf32, #tpu.memory_space<vmem>>) target(%dma_start3A_167 : memref<128x128xf32, #tpu.memory_space<vmem_shared>>) target_semaphore(%arg13 : memref<!tpu.dma_semaphore, #tpu.memory_space<semaphore_mem>>)
    %dma_wait3A_172 = arith.constant 1 : i32
    %dma_wait3A_173 = arith.constant 1 : i32
    %dma_wait3A_174 = arith.constant 0 : i32
    %dma_wait3A_175 = arith.constant 0 : i32
    %dma_wait3A_176 = tpu.memref_slice %arg6[%dma_wait3A_172, %dma_wait3A_174, %dma_wait3A_175] : memref<3x128x128xf32, #tpu.memory_space<vmem>> -> memref<1x128x128xf32, #tpu.memory_space<vmem>>
    %dma_wait3A_177 = tpu.memref_squeeze %dma_wait3A_176 : memref<1x128x128xf32, #tpu.memory_space<vmem>> -> memref<128x128xf32, #tpu.memory_space<vmem>>
    %dma_wait3A_178 = arith.constant 0 : i32
    %dma_wait3A_179 = arith.constant 0 : i32
    %dma_wait3A_180 = tpu.memref_slice %arg7[%arg1, %dma_wait3A_173, %dma_wait3A_178, %dma_wait3A_179] : memref<16x3x128x128xf32, #tpu.memory_space<vmem_shared>> -> memref<1x1x128x128xf32, #tpu.memory_space<vmem_shared>>
    %dma_wait3A_181 = tpu.memref_squeeze %dma_wait3A_180 : memref<1x1x128x128xf32, #tpu.memory_space<vmem_shared>> -> memref<128x128xf32, #tpu.memory_space<vmem_shared>>
    %dma_wait3A_182 = arith.constant 0 : i32
    %dma_wait3A_183 = arith.constant 0 : i32
    %dma_wait3A_184 = tpu.memref_slice %arg7[%arg1, %dma_wait3A_173, %dma_wait3A_182, %dma_wait3A_183] : memref<16x3x128x128xf32, #tpu.memory_space<vmem_shared>> -> memref<1x1x128x128xf32, #tpu.memory_space<vmem_shared>>
    %dma_wait3A_185 = tpu.memref_squeeze %dma_wait3A_184 : memref<1x1x128x128xf32, #tpu.memory_space<vmem_shared>> -> memref<128x128xf32, #tpu.memory_space<vmem_shared>>
    %dma_wait3A_186 = arith.constant 0 : i32
    %dma_wait3A_187 = arith.constant 0 : i32
    %dma_wait3A_188 = tpu.memref_slice %arg6[%dma_wait3A_172, %dma_wait3A_186, %dma_wait3A_187] : memref<3x128x128xf32, #tpu.memory_space<vmem>> -> memref<1x128x128xf32, #tpu.memory_space<vmem>>
    %dma_wait3A_189 = tpu.memref_squeeze %dma_wait3A_188 : memref<1x128x128xf32, #tpu.memory_space<vmem>> -> memref<128x128xf32, #tpu.memory_space<vmem>>
    tpu.wait_dma2 semaphore(%arg12 : memref<!tpu.dma_semaphore, #tpu.memory_space<semaphore_mem>>) src(%dma_wait3A_189 : memref<128x128xf32, #tpu.memory_space<vmem>>) dst(%dma_wait3A_185 : memref<128x128xf32, #tpu.memory_space<vmem_shared>>)
    %mul3A_190 = arith.constant 200 : i32
    %mul3A_191 = arith.muli %add3A, %mul3A_190 : i32
    %add3A_192 = arith.constant 196 : i32
    %add3A_193 = arith.addi %mul3A_191, %add3A_192 : i32
    %dma_start3A_194 = arith.constant 1 : i32
    %dma_start3A_195 = arith.constant 0 : i32
    %dma_start3A_196 = arith.constant 0 : i32
    %dma_start3A_197 = tpu.memref_slice %arg4[%add3A_193, %dma_start3A_195, %dma_start3A_196] : memref<6400x128x128xf32, #tpu.memory_space<hbm>> -> memref<1x128x128xf32, #tpu.memory_space<hbm>>
    %dma_start3A_198 = tpu.memref_squeeze %dma_start3A_197 : memref<1x128x128xf32, #tpu.memory_space<hbm>> -> memref<128x128xf32, #tpu.memory_space<hbm>>
    %dma_start3A_199 = arith.constant 0 : i32
    %dma_start3A_200 = arith.constant 0 : i32
    %dma_start3A_201 = tpu.memref_slice %arg7[%arg1, %dma_start3A_194, %dma_start3A_199, %dma_start3A_200] : memref<16x3x128x128xf32, #tpu.memory_space<vmem_shared>> -> memref<1x1x128x128xf32, #tpu.memory_space<vmem_shared>>
    %dma_start3A_202 = tpu.memref_squeeze %dma_start3A_201 : memref<1x1x128x128xf32, #tpu.memory_space<vmem_shared>> -> memref<128x128xf32, #tpu.memory_space<vmem_shared>>
    tpu.enqueue_dma source(%dma_start3A_202 : memref<128x128xf32, #tpu.memory_space<vmem_shared>>) target(%dma_start3A_198 : memref<128x128xf32, #tpu.memory_space<hbm>>) target_semaphore(%arg15 : memref<!tpu.dma_semaphore, #tpu.memory_space<semaphore_mem>>)
    %mul3A_203 = arith.constant 200 : i32
    %mul3A_204 = arith.muli %add3A, %mul3A_203 : i32
    %add3A_205 = arith.constant 195 : i32
    %add3A_206 = arith.addi %mul3A_204, %add3A_205 : i32
    %dma_wait3A_207 = arith.constant 0 : i32
    %dma_wait3A_208 = arith.constant 0 : i32
    %dma_wait3A_209 = arith.constant 0 : i32
    %dma_wait3A_210 = tpu.memref_slice %arg4[%add3A_206, %dma_wait3A_208, %dma_wait3A_209] : memref<6400x128x128xf32, #tpu.memory_space<hbm>> -> memref<1x128x128xf32, #tpu.memory_space<hbm>>
    %dma_wait3A_211 = tpu.memref_squeeze %dma_wait3A_210 : memref<1x128x128xf32, #tpu.memory_space<hbm>> -> memref<128x128xf32, #tpu.memory_space<hbm>>
    %dma_wait3A_212 = arith.constant 0 : i32
    %dma_wait3A_213 = arith.constant 0 : i32
    %dma_wait3A_214 = tpu.memref_slice %arg7[%arg1, %dma_wait3A_207, %dma_wait3A_212, %dma_wait3A_213] : memref<16x3x128x128xf32, #tpu.memory_space<vmem_shared>> -> memref<1x1x128x128xf32, #tpu.memory_space<vmem_shared>>
    %dma_wait3A_215 = tpu.memref_squeeze %dma_wait3A_214 : memref<1x1x128x128xf32, #tpu.memory_space<vmem_shared>> -> memref<128x128xf32, #tpu.memory_space<vmem_shared>>
    tpu.wait_dma2 semaphore(%arg14 : memref<!tpu.dma_semaphore, #tpu.memory_space<semaphore_mem>>) src(%dma_wait3A_215 : memref<128x128xf32, #tpu.memory_space<vmem_shared>>) dst(%dma_wait3A_211 : memref<128x128xf32, #tpu.memory_space<hbm>>)
    %dma_start3A_216 = arith.constant 199 : i32
    %dma_start3A_217 = arith.constant 1 : i32
    %dma_start3A_218 = arith.constant 0 : i32
    %dma_start3A_219 = arith.constant 0 : i32
    %dma_start3A_220 = tpu.memref_slice %arg6[%dma_start3A_217, %dma_start3A_218, %dma_start3A_219] : memref<3x128x128xf32, #tpu.memory_space<vmem>> -> memref<1x128x128xf32, #tpu.memory_space<vmem>>
    %dma_start3A_221 = tpu.memref_squeeze %dma_start3A_220 : memref<1x128x128xf32, #tpu.memory_space<vmem>> -> memref<128x128xf32, #tpu.memory_space<vmem>>
    %dma_start3A_222 = arith.constant 0 : i32
    %dma_start3A_223 = tpu.memref_slice %arg5[%dma_start3A_216, %dma_start3A_222] : memref<200x128xi32, #tpu.memory_space<vmem>> -> memref<1x128xi32, #tpu.memory_space<vmem>>
    %dma_start3A_224 = tpu.memref_squeeze %dma_start3A_223 : memref<1x128xi32, #tpu.memory_space<vmem>> -> memref<128xi32, #tpu.memory_space<vmem>>
    %dma_start3A_225 = arith.constant 0 : i32
    %dma_start3A_226 = arith.constant 0 : i32
    %dma_start3A_227 = tpu.memref_slice %arg2[%dma_start3A_225, %dma_start3A_226] : memref<1000000x128xf32, #tpu.memory_space<hbm>> -> memref<1000000x128xf32, #tpu.memory_space<hbm>>
    tpu.enqueue_indirect_dma source(%dma_start3A_227 : memref<1000000x128xf32, #tpu.memory_space<hbm>>) target(%dma_start3A_221 : memref<128x128xf32, #tpu.memory_space<vmem>>) offsets(%dma_start3A_224 : memref<128xi32, #tpu.memory_space<vmem>>) semaphore(%arg9 : memref<!tpu.dma_semaphore, #tpu.memory_space<semaphore_mem>>)
    %dma_wait3A_228 = arith.constant 198 : i32
    %dma_wait3A_229 = arith.constant 0 : i32
    %dma_wait3A_230 = arith.constant 0 : i32
    %dma_wait3A_231 = arith.constant 0 : i32
    %dma_wait3A_232 = tpu.memref_slice %arg6[%dma_wait3A_229, %dma_wait3A_230, %dma_wait3A_231] : memref<3x128x128xf32, #tpu.memory_space<vmem>> -> memref<1x128x128xf32, #tpu.memory_space<vmem>>
    %dma_wait3A_233 = tpu.memref_squeeze %dma_wait3A_232 : memref<1x128x128xf32, #tpu.memory_space<vmem>> -> memref<128x128xf32, #tpu.memory_space<vmem>>
    %dma_wait3A_234 = arith.constant 0 : i32
    %dma_wait3A_235 = tpu.memref_slice %arg5[%dma_wait3A_228, %dma_wait3A_234] : memref<200x128xi32, #tpu.memory_space<vmem>> -> memref<1x128xi32, #tpu.memory_space<vmem>>
    %dma_wait3A_236 = tpu.memref_squeeze %dma_wait3A_235 : memref<1x128xi32, #tpu.memory_space<vmem>> -> memref<128xi32, #tpu.memory_space<vmem>>
    %dma_wait3A_237 = arith.constant 0 : i32
    %dma_wait3A_238 = arith.constant 0 : i32
    %dma_wait3A_239 = tpu.memref_slice %arg2[%dma_wait3A_237, %dma_wait3A_238] : memref<1000000x128xf32, #tpu.memory_space<hbm>> -> memref<1000000x128xf32, #tpu.memory_space<hbm>>
    tpu.wait_indirect_dma semaphore(%arg8 : memref<!tpu.dma_semaphore, #tpu.memory_space<semaphore_mem>>) src(%dma_wait3A_239 : memref<1000000x128xf32, #tpu.memory_space<hbm>>) dst(%dma_wait3A_233 : memref<128x128xf32, #tpu.memory_space<vmem>>)
    %dma_start3A_240 = arith.constant 0 : i32
    %dma_start3A_241 = arith.constant 0 : i32
    %dma_start3A_242 = arith.constant 0 : i32
    %dma_start3A_243 = arith.constant 0 : i32
    %dma_start3A_244 = tpu.memref_slice %arg6[%dma_start3A_240, %dma_start3A_242, %dma_start3A_243] : memref<3x128x128xf32, #tpu.memory_space<vmem>> -> memref<1x128x128xf32, #tpu.memory_space<vmem>>
    %dma_start3A_245 = tpu.memref_squeeze %dma_start3A_244 : memref<1x128x128xf32, #tpu.memory_space<vmem>> -> memref<128x128xf32, #tpu.memory_space<vmem>>
    %dma_start3A_246 = arith.constant 0 : i32
    %dma_start3A_247 = arith.constant 0 : i32
    %dma_start3A_248 = tpu.memref_slice %arg7[%arg1, %dma_start3A_241, %dma_start3A_246, %dma_start3A_247] : memref<16x3x128x128xf32, #tpu.memory_space<vmem_shared>> -> memref<1x1x128x128xf32, #tpu.memory_space<vmem_shared>>
    %dma_start3A_249 = tpu.memref_squeeze %dma_start3A_248 : memref<1x1x128x128xf32, #tpu.memory_space<vmem_shared>> -> memref<128x128xf32, #tpu.memory_space<vmem_shared>>
    %dma_start3A_250 = arith.constant 0 : i32
    %dma_start3A_251 = arith.constant 0 : i32
    %dma_start3A_252 = tpu.memref_slice %arg7[%arg1, %dma_start3A_241, %dma_start3A_250, %dma_start3A_251] : memref<16x3x128x128xf32, #tpu.memory_space<vmem_shared>> -> memref<1x1x128x128xf32, #tpu.memory_space<vmem_shared>>
    %dma_start3A_253 = tpu.memref_squeeze %dma_start3A_252 : memref<1x1x128x128xf32, #tpu.memory_space<vmem_shared>> -> memref<128x128xf32, #tpu.memory_space<vmem_shared>>
    %dma_start3A_254 = arith.constant 0 : i32
    %dma_start3A_255 = arith.constant 0 : i32
    %dma_start3A_256 = tpu.memref_slice %arg6[%dma_start3A_240, %dma_start3A_254, %dma_start3A_255] : memref<3x128x128xf32, #tpu.memory_space<vmem>> -> memref<1x128x128xf32, #tpu.memory_space<vmem>>
    %dma_start3A_257 = tpu.memref_squeeze %dma_start3A_256 : memref<1x128x128xf32, #tpu.memory_space<vmem>> -> memref<128x128xf32, #tpu.memory_space<vmem>>
    tpu.enqueue_dma source(%dma_start3A_257 : memref<128x128xf32, #tpu.memory_space<vmem>>) target(%dma_start3A_253 : memref<128x128xf32, #tpu.memory_space<vmem_shared>>) target_semaphore(%arg11 : memref<!tpu.dma_semaphore, #tpu.memory_space<semaphore_mem>>)
    %dma_wait3A_258 = arith.constant 2 : i32
    %dma_wait3A_259 = arith.constant 2 : i32
    %dma_wait3A_260 = arith.constant 0 : i32
    %dma_wait3A_261 = arith.constant 0 : i32
    %dma_wait3A_262 = tpu.memref_slice %arg6[%dma_wait3A_258, %dma_wait3A_260, %dma_wait3A_261] : memref<3x128x128xf32, #tpu.memory_space<vmem>> -> memref<1x128x128xf32, #tpu.memory_space<vmem>>
    %dma_wait3A_263 = tpu.memref_squeeze %dma_wait3A_262 : memref<1x128x128xf32, #tpu.memory_space<vmem>> -> memref<128x128xf32, #tpu.memory_space<vmem>>
    %dma_wait3A_264 = arith.constant 0 : i32
    %dma_wait3A_265 = arith.constant 0 : i32
    %dma_wait3A_266 = tpu.memref_slice %arg7[%arg1, %dma_wait3A_259, %dma_wait3A_264, %dma_wait3A_265] : memref<16x3x128x128xf32, #tpu.memory_space<vmem_shared>> -> memref<1x1x128x128xf32, #tpu.memory_space<vmem_shared>>
    %dma_wait3A_267 = tpu.memref_squeeze %dma_wait3A_266 : memref<1x1x128x128xf32, #tpu.memory_space<vmem_shared>> -> memref<128x128xf32, #tpu.memory_space<vmem_shared>>
    %dma_wait3A_268 = arith.constant 0 : i32
    %dma_wait3A_269 = arith.constant 0 : i32
    %dma_wait3A_270 = tpu.memref_slice %arg7[%arg1, %dma_wait3A_259, %dma_wait3A_268, %dma_wait3A_269] : memref<16x3x128x128xf32, #tpu.memory_space<vmem_shared>> -> memref<1x1x128x128xf32, #tpu.memory_space<vmem_shared>>
    %dma_wait3A_271 = tpu.memref_squeeze %dma_wait3A_270 : memref<1x1x128x128xf32, #tpu.memory_space<vmem_shared>> -> memref<128x128xf32, #tpu.memory_space<vmem_shared>>
    %dma_wait3A_272 = arith.constant 0 : i32
    %dma_wait3A_273 = arith.constant 0 : i32
    %dma_wait3A_274 = tpu.memref_slice %arg6[%dma_wait3A_258, %dma_wait3A_272, %dma_wait3A_273] : memref<3x128x128xf32, #tpu.memory_space<vmem>> -> memref<1x128x128xf32, #tpu.memory_space<vmem>>
    %dma_wait3A_275 = tpu.memref_squeeze %dma_wait3A_274 : memref<1x128x128xf32, #tpu.memory_space<vmem>> -> memref<128x128xf32, #tpu.memory_space<vmem>>
    tpu.wait_dma2 semaphore(%arg13 : memref<!tpu.dma_semaphore, #tpu.memory_space<semaphore_mem>>) src(%dma_wait3A_275 : memref<128x128xf32, #tpu.memory_space<vmem>>) dst(%dma_wait3A_271 : memref<128x128xf32, #tpu.memory_space<vmem_shared>>)
    %mul3A_276 = arith.constant 200 : i32
    %mul3A_277 = arith.muli %add3A, %mul3A_276 : i32
    %add3A_278 = arith.constant 197 : i32
    %add3A_279 = arith.addi %mul3A_277, %add3A_278 : i32
    %dma_start3A_280 = arith.constant 2 : i32
    %dma_start3A_281 = arith.constant 0 : i32
    %dma_start3A_282 = arith.constant 0 : i32
    %dma_start3A_283 = tpu.memref_slice %arg4[%add3A_279, %dma_start3A_281, %dma_start3A_282] : memref<6400x128x128xf32, #tpu.memory_space<hbm>> -> memref<1x128x128xf32, #tpu.memory_space<hbm>>
    %dma_start3A_284 = tpu.memref_squeeze %dma_start3A_283 : memref<1x128x128xf32, #tpu.memory_space<hbm>> -> memref<128x128xf32, #tpu.memory_space<hbm>>
    %dma_start3A_285 = arith.constant 0 : i32
    %dma_start3A_286 = arith.constant 0 : i32
    %dma_start3A_287 = tpu.memref_slice %arg7[%arg1, %dma_start3A_280, %dma_start3A_285, %dma_start3A_286] : memref<16x3x128x128xf32, #tpu.memory_space<vmem_shared>> -> memref<1x1x128x128xf32, #tpu.memory_space<vmem_shared>>
    %dma_start3A_288 = tpu.memref_squeeze %dma_start3A_287 : memref<1x1x128x128xf32, #tpu.memory_space<vmem_shared>> -> memref<128x128xf32, #tpu.memory_space<vmem_shared>>
    tpu.enqueue_dma source(%dma_start3A_288 : memref<128x128xf32, #tpu.memory_space<vmem_shared>>) target(%dma_start3A_284 : memref<128x128xf32, #tpu.memory_space<hbm>>) target_semaphore(%arg16 : memref<!tpu.dma_semaphore, #tpu.memory_space<semaphore_mem>>)
    %mul3A_289 = arith.constant 200 : i32
    %mul3A_290 = arith.muli %add3A, %mul3A_289 : i32
    %add3A_291 = arith.constant 196 : i32
    %add3A_292 = arith.addi %mul3A_290, %add3A_291 : i32
    %dma_wait3A_293 = arith.constant 1 : i32
    %dma_wait3A_294 = arith.constant 0 : i32
    %dma_wait3A_295 = arith.constant 0 : i32
    %dma_wait3A_296 = tpu.memref_slice %arg4[%add3A_292, %dma_wait3A_294, %dma_wait3A_295] : memref<6400x128x128xf32, #tpu.memory_space<hbm>> -> memref<1x128x128xf32, #tpu.memory_space<hbm>>
    %dma_wait3A_297 = tpu.memref_squeeze %dma_wait3A_296 : memref<1x128x128xf32, #tpu.memory_space<hbm>> -> memref<128x128xf32, #tpu.memory_space<hbm>>
    %dma_wait3A_298 = arith.constant 0 : i32
    %dma_wait3A_299 = arith.constant 0 : i32
    %dma_wait3A_300 = tpu.memref_slice %arg7[%arg1, %dma_wait3A_293, %dma_wait3A_298, %dma_wait3A_299] : memref<16x3x128x128xf32, #tpu.memory_space<vmem_shared>> -> memref<1x1x128x128xf32, #tpu.memory_space<vmem_shared>>
    %dma_wait3A_301 = tpu.memref_squeeze %dma_wait3A_300 : memref<1x1x128x128xf32, #tpu.memory_space<vmem_shared>> -> memref<128x128xf32, #tpu.memory_space<vmem_shared>>
    tpu.wait_dma2 semaphore(%arg15 : memref<!tpu.dma_semaphore, #tpu.memory_space<semaphore_mem>>) src(%dma_wait3A_301 : memref<128x128xf32, #tpu.memory_space<vmem_shared>>) dst(%dma_wait3A_297 : memref<128x128xf32, #tpu.memory_space<hbm>>)
    %dma_wait3A_302 = arith.constant 199 : i32
    %dma_wait3A_303 = arith.constant 1 : i32
    %dma_wait3A_304 = arith.constant 0 : i32
    %dma_wait3A_305 = arith.constant 0 : i32
    %dma_wait3A_306 = tpu.memref_slice %arg6[%dma_wait3A_303, %dma_wait3A_304, %dma_wait3A_305] : memref<3x128x128xf32, #tpu.memory_space<vmem>> -> memref<1x128x128xf32, #tpu.memory_space<vmem>>
    %dma_wait3A_307 = tpu.memref_squeeze %dma_wait3A_306 : memref<1x128x128xf32, #tpu.memory_space<vmem>> -> memref<128x128xf32, #tpu.memory_space<vmem>>
    %dma_wait3A_308 = arith.constant 0 : i32
    %dma_wait3A_309 = tpu.memref_slice %arg5[%dma_wait3A_302, %dma_wait3A_308] : memref<200x128xi32, #tpu.memory_space<vmem>> -> memref<1x128xi32, #tpu.memory_space<vmem>>
    %dma_wait3A_310 = tpu.memref_squeeze %dma_wait3A_309 : memref<1x128xi32, #tpu.memory_space<vmem>> -> memref<128xi32, #tpu.memory_space<vmem>>
    %dma_wait3A_311 = arith.constant 0 : i32
    %dma_wait3A_312 = arith.constant 0 : i32
    %dma_wait3A_313 = tpu.memref_slice %arg2[%dma_wait3A_311, %dma_wait3A_312] : memref<1000000x128xf32, #tpu.memory_space<hbm>> -> memref<1000000x128xf32, #tpu.memory_space<hbm>>
    tpu.wait_indirect_dma semaphore(%arg9 : memref<!tpu.dma_semaphore, #tpu.memory_space<semaphore_mem>>) src(%dma_wait3A_313 : memref<1000000x128xf32, #tpu.memory_space<hbm>>) dst(%dma_wait3A_307 : memref<128x128xf32, #tpu.memory_space<vmem>>)
    %dma_start3A_314 = arith.constant 1 : i32
    %dma_start3A_315 = arith.constant 1 : i32
    %dma_start3A_316 = arith.constant 0 : i32
    %dma_start3A_317 = arith.constant 0 : i32
    %dma_start3A_318 = tpu.memref_slice %arg6[%dma_start3A_314, %dma_start3A_316, %dma_start3A_317] : memref<3x128x128xf32, #tpu.memory_space<vmem>> -> memref<1x128x128xf32, #tpu.memory_space<vmem>>
    %dma_start3A_319 = tpu.memref_squeeze %dma_start3A_318 : memref<1x128x128xf32, #tpu.memory_space<vmem>> -> memref<128x128xf32, #tpu.memory_space<vmem>>
    %dma_start3A_320 = arith.constant 0 : i32
    %dma_start3A_321 = arith.constant 0 : i32
    %dma_start3A_322 = tpu.memref_slice %arg7[%arg1, %dma_start3A_315, %dma_start3A_320, %dma_start3A_321] : memref<16x3x128x128xf32, #tpu.memory_space<vmem_shared>> -> memref<1x1x128x128xf32, #tpu.memory_space<vmem_shared>>
    %dma_start3A_323 = tpu.memref_squeeze %dma_start3A_322 : memref<1x1x128x128xf32, #tpu.memory_space<vmem_shared>> -> memref<128x128xf32, #tpu.memory_space<vmem_shared>>
    %dma_start3A_324 = arith.constant 0 : i32
    %dma_start3A_325 = arith.constant 0 : i32
    %dma_start3A_326 = tpu.memref_slice %arg7[%arg1, %dma_start3A_315, %dma_start3A_324, %dma_start3A_325] : memref<16x3x128x128xf32, #tpu.memory_space<vmem_shared>> -> memref<1x1x128x128xf32, #tpu.memory_space<vmem_shared>>
    %dma_start3A_327 = tpu.memref_squeeze %dma_start3A_326 : memref<1x1x128x128xf32, #tpu.memory_space<vmem_shared>> -> memref<128x128xf32, #tpu.memory_space<vmem_shared>>
    %dma_start3A_328 = arith.constant 0 : i32
    %dma_start3A_329 = arith.constant 0 : i32
    %dma_start3A_330 = tpu.memref_slice %arg6[%dma_start3A_314, %dma_start3A_328, %dma_start3A_329] : memref<3x128x128xf32, #tpu.memory_space<vmem>> -> memref<1x128x128xf32, #tpu.memory_space<vmem>>
    %dma_start3A_331 = tpu.memref_squeeze %dma_start3A_330 : memref<1x128x128xf32, #tpu.memory_space<vmem>> -> memref<128x128xf32, #tpu.memory_space<vmem>>
    tpu.enqueue_dma source(%dma_start3A_331 : memref<128x128xf32, #tpu.memory_space<vmem>>) target(%dma_start3A_327 : memref<128x128xf32, #tpu.memory_space<vmem_shared>>) target_semaphore(%arg12 : memref<!tpu.dma_semaphore, #tpu.memory_space<semaphore_mem>>)
    %dma_wait3A_332 = arith.constant 0 : i32
    %dma_wait3A_333 = arith.constant 0 : i32
    %dma_wait3A_334 = arith.constant 0 : i32
    %dma_wait3A_335 = arith.constant 0 : i32
    %dma_wait3A_336 = tpu.memref_slice %arg6[%dma_wait3A_332, %dma_wait3A_334, %dma_wait3A_335] : memref<3x128x128xf32, #tpu.memory_space<vmem>> -> memref<1x128x128xf32, #tpu.memory_space<vmem>>
    %dma_wait3A_337 = tpu.memref_squeeze %dma_wait3A_336 : memref<1x128x128xf32, #tpu.memory_space<vmem>> -> memref<128x128xf32, #tpu.memory_space<vmem>>
    %dma_wait3A_338 = arith.constant 0 : i32
    %dma_wait3A_339 = arith.constant 0 : i32
    %dma_wait3A_340 = tpu.memref_slice %arg7[%arg1, %dma_wait3A_333, %dma_wait3A_338, %dma_wait3A_339] : memref<16x3x128x128xf32, #tpu.memory_space<vmem_shared>> -> memref<1x1x128x128xf32, #tpu.memory_space<vmem_shared>>
    %dma_wait3A_341 = tpu.memref_squeeze %dma_wait3A_340 : memref<1x1x128x128xf32, #tpu.memory_space<vmem_shared>> -> memref<128x128xf32, #tpu.memory_space<vmem_shared>>
    %dma_wait3A_342 = arith.constant 0 : i32
    %dma_wait3A_343 = arith.constant 0 : i32
    %dma_wait3A_344 = tpu.memref_slice %arg7[%arg1, %dma_wait3A_333, %dma_wait3A_342, %dma_wait3A_343] : memref<16x3x128x128xf32, #tpu.memory_space<vmem_shared>> -> memref<1x1x128x128xf32, #tpu.memory_space<vmem_shared>>
    %dma_wait3A_345 = tpu.memref_squeeze %dma_wait3A_344 : memref<1x1x128x128xf32, #tpu.memory_space<vmem_shared>> -> memref<128x128xf32, #tpu.memory_space<vmem_shared>>
    %dma_wait3A_346 = arith.constant 0 : i32
    %dma_wait3A_347 = arith.constant 0 : i32
    %dma_wait3A_348 = tpu.memref_slice %arg6[%dma_wait3A_332, %dma_wait3A_346, %dma_wait3A_347] : memref<3x128x128xf32, #tpu.memory_space<vmem>> -> memref<1x128x128xf32, #tpu.memory_space<vmem>>
    %dma_wait3A_349 = tpu.memref_squeeze %dma_wait3A_348 : memref<1x128x128xf32, #tpu.memory_space<vmem>> -> memref<128x128xf32, #tpu.memory_space<vmem>>
    tpu.wait_dma2 semaphore(%arg11 : memref<!tpu.dma_semaphore, #tpu.memory_space<semaphore_mem>>) src(%dma_wait3A_349 : memref<128x128xf32, #tpu.memory_space<vmem>>) dst(%dma_wait3A_345 : memref<128x128xf32, #tpu.memory_space<vmem_shared>>)
    %mul3A_350 = arith.constant 200 : i32
    %mul3A_351 = arith.muli %add3A, %mul3A_350 : i32
    %add3A_352 = arith.constant 198 : i32
    %add3A_353 = arith.addi %mul3A_351, %add3A_352 : i32
    %dma_start3A_354 = arith.constant 0 : i32
    %dma_start3A_355 = arith.constant 0 : i32
    %dma_start3A_356 = arith.constant 0 : i32
    %dma_start3A_357 = tpu.memref_slice %arg4[%add3A_353, %dma_start3A_355, %dma_start3A_356] : memref<6400x128x128xf32, #tpu.memory_space<hbm>> -> memref<1x128x128xf32, #tpu.memory_space<hbm>>
    %dma_start3A_358 = tpu.memref_squeeze %dma_start3A_357 : memref<1x128x128xf32, #tpu.memory_space<hbm>> -> memref<128x128xf32, #tpu.memory_space<hbm>>
    %dma_start3A_359 = arith.constant 0 : i32
    %dma_start3A_360 = arith.constant 0 : i32
    %dma_start3A_361 = tpu.memref_slice %arg7[%arg1, %dma_start3A_354, %dma_start3A_359, %dma_start3A_360] : memref<16x3x128x128xf32, #tpu.memory_space<vmem_shared>> -> memref<1x1x128x128xf32, #tpu.memory_space<vmem_shared>>
    %dma_start3A_362 = tpu.memref_squeeze %dma_start3A_361 : memref<1x1x128x128xf32, #tpu.memory_space<vmem_shared>> -> memref<128x128xf32, #tpu.memory_space<vmem_shared>>
    tpu.enqueue_dma source(%dma_start3A_362 : memref<128x128xf32, #tpu.memory_space<vmem_shared>>) target(%dma_start3A_358 : memref<128x128xf32, #tpu.memory_space<hbm>>) target_semaphore(%arg14 : memref<!tpu.dma_semaphore, #tpu.memory_space<semaphore_mem>>)
    %mul3A_363 = arith.constant 200 : i32
    %mul3A_364 = arith.muli %add3A, %mul3A_363 : i32
    %add3A_365 = arith.constant 197 : i32
    %add3A_366 = arith.addi %mul3A_364, %add3A_365 : i32
    %dma_wait3A_367 = arith.constant 2 : i32
    %dma_wait3A_368 = arith.constant 0 : i32
    %dma_wait3A_369 = arith.constant 0 : i32
    %dma_wait3A_370 = tpu.memref_slice %arg4[%add3A_366, %dma_wait3A_368, %dma_wait3A_369] : memref<6400x128x128xf32, #tpu.memory_space<hbm>> -> memref<1x128x128xf32, #tpu.memory_space<hbm>>
    %dma_wait3A_371 = tpu.memref_squeeze %dma_wait3A_370 : memref<1x128x128xf32, #tpu.memory_space<hbm>> -> memref<128x128xf32, #tpu.memory_space<hbm>>
    %dma_wait3A_372 = arith.constant 0 : i32
    %dma_wait3A_373 = arith.constant 0 : i32
    %dma_wait3A_374 = tpu.memref_slice %arg7[%arg1, %dma_wait3A_367, %dma_wait3A_372, %dma_wait3A_373] : memref<16x3x128x128xf32, #tpu.memory_space<vmem_shared>> -> memref<1x1x128x128xf32, #tpu.memory_space<vmem_shared>>
    %dma_wait3A_375 = tpu.memref_squeeze %dma_wait3A_374 : memref<1x1x128x128xf32, #tpu.memory_space<vmem_shared>> -> memref<128x128xf32, #tpu.memory_space<vmem_shared>>
    tpu.wait_dma2 semaphore(%arg16 : memref<!tpu.dma_semaphore, #tpu.memory_space<semaphore_mem>>) src(%dma_wait3A_375 : memref<128x128xf32, #tpu.memory_space<vmem_shared>>) dst(%dma_wait3A_371 : memref<128x128xf32, #tpu.memory_space<hbm>>)
    %dma_wait3A_376 = arith.constant 1 : i32
    %dma_wait3A_377 = arith.constant 1 : i32
    %dma_wait3A_378 = arith.constant 0 : i32
    %dma_wait3A_379 = arith.constant 0 : i32
    %dma_wait3A_380 = tpu.memref_slice %arg6[%dma_wait3A_376, %dma_wait3A_378, %dma_wait3A_379] : memref<3x128x128xf32, #tpu.memory_space<vmem>> -> memref<1x128x128xf32, #tpu.memory_space<vmem>>
    %dma_wait3A_381 = tpu.memref_squeeze %dma_wait3A_380 : memref<1x128x128xf32, #tpu.memory_space<vmem>> -> memref<128x128xf32, #tpu.memory_space<vmem>>
    %dma_wait3A_382 = arith.constant 0 : i32
    %dma_wait3A_383 = arith.constant 0 : i32
    %dma_wait3A_384 = tpu.memref_slice %arg7[%arg1, %dma_wait3A_377, %dma_wait3A_382, %dma_wait3A_383] : memref<16x3x128x128xf32, #tpu.memory_space<vmem_shared>> -> memref<1x1x128x128xf32, #tpu.memory_space<vmem_shared>>
    %dma_wait3A_385 = tpu.memref_squeeze %dma_wait3A_384 : memref<1x1x128x128xf32, #tpu.memory_space<vmem_shared>> -> memref<128x128xf32, #tpu.memory_space<vmem_shared>>
    %dma_wait3A_386 = arith.constant 0 : i32
    %dma_wait3A_387 = arith.constant 0 : i32
    %dma_wait3A_388 = tpu.memref_slice %arg7[%arg1, %dma_wait3A_377, %dma_wait3A_386, %dma_wait3A_387] : memref<16x3x128x128xf32, #tpu.memory_space<vmem_shared>> -> memref<1x1x128x128xf32, #tpu.memory_space<vmem_shared>>
    %dma_wait3A_389 = tpu.memref_squeeze %dma_wait3A_388 : memref<1x1x128x128xf32, #tpu.memory_space<vmem_shared>> -> memref<128x128xf32, #tpu.memory_space<vmem_shared>>
    %dma_wait3A_390 = arith.constant 0 : i32
    %dma_wait3A_391 = arith.constant 0 : i32
    %dma_wait3A_392 = tpu.memref_slice %arg6[%dma_wait3A_376, %dma_wait3A_390, %dma_wait3A_391] : memref<3x128x128xf32, #tpu.memory_space<vmem>> -> memref<1x128x128xf32, #tpu.memory_space<vmem>>
    %dma_wait3A_393 = tpu.memref_squeeze %dma_wait3A_392 : memref<1x128x128xf32, #tpu.memory_space<vmem>> -> memref<128x128xf32, #tpu.memory_space<vmem>>
    tpu.wait_dma2 semaphore(%arg12 : memref<!tpu.dma_semaphore, #tpu.memory_space<semaphore_mem>>) src(%dma_wait3A_393 : memref<128x128xf32, #tpu.memory_space<vmem>>) dst(%dma_wait3A_389 : memref<128x128xf32, #tpu.memory_space<vmem_shared>>)
    %mul3A_394 = arith.constant 200 : i32
    %mul3A_395 = arith.muli %add3A, %mul3A_394 : i32
    %add3A_396 = arith.constant 199 : i32
    %add3A_397 = arith.addi %mul3A_395, %add3A_396 : i32
    %dma_start3A_398 = arith.constant 1 : i32
    %dma_start3A_399 = arith.constant 0 : i32
    %dma_start3A_400 = arith.constant 0 : i32
    %dma_start3A_401 = tpu.memref_slice %arg4[%add3A_397, %dma_start3A_399, %dma_start3A_400] : memref<6400x128x128xf32, #tpu.memory_space<hbm>> -> memref<1x128x128xf32, #tpu.memory_space<hbm>>
    %dma_start3A_402 = tpu.memref_squeeze %dma_start3A_401 : memref<1x128x128xf32, #tpu.memory_space<hbm>> -> memref<128x128xf32, #tpu.memory_space<hbm>>
    %dma_start3A_403 = arith.constant 0 : i32
    %dma_start3A_404 = arith.constant 0 : i32
    %dma_start3A_405 = tpu.memref_slice %arg7[%arg1, %dma_start3A_398, %dma_start3A_403, %dma_start3A_404] : memref<16x3x128x128xf32, #tpu.memory_space<vmem_shared>> -> memref<1x1x128x128xf32, #tpu.memory_space<vmem_shared>>
    %dma_start3A_406 = tpu.memref_squeeze %dma_start3A_405 : memref<1x1x128x128xf32, #tpu.memory_space<vmem_shared>> -> memref<128x128xf32, #tpu.memory_space<vmem_shared>>
    tpu.enqueue_dma source(%dma_start3A_406 : memref<128x128xf32, #tpu.memory_space<vmem_shared>>) target(%dma_start3A_402 : memref<128x128xf32, #tpu.memory_space<hbm>>) target_semaphore(%arg15 : memref<!tpu.dma_semaphore, #tpu.memory_space<semaphore_mem>>)
    %mul3A_407 = arith.constant 200 : i32
    %mul3A_408 = arith.muli %add3A, %mul3A_407 : i32
    %add3A_409 = arith.constant 198 : i32
    %add3A_410 = arith.addi %mul3A_408, %add3A_409 : i32
    %dma_wait3A_411 = arith.constant 0 : i32
    %dma_wait3A_412 = arith.constant 0 : i32
    %dma_wait3A_413 = arith.constant 0 : i32
    %dma_wait3A_414 = tpu.memref_slice %arg4[%add3A_410, %dma_wait3A_412, %dma_wait3A_413] : memref<6400x128x128xf32, #tpu.memory_space<hbm>> -> memref<1x128x128xf32, #tpu.memory_space<hbm>>
    %dma_wait3A_415 = tpu.memref_squeeze %dma_wait3A_414 : memref<1x128x128xf32, #tpu.memory_space<hbm>> -> memref<128x128xf32, #tpu.memory_space<hbm>>
    %dma_wait3A_416 = arith.constant 0 : i32
    %dma_wait3A_417 = arith.constant 0 : i32
    %dma_wait3A_418 = tpu.memref_slice %arg7[%arg1, %dma_wait3A_411, %dma_wait3A_416, %dma_wait3A_417] : memref<16x3x128x128xf32, #tpu.memory_space<vmem_shared>> -> memref<1x1x128x128xf32, #tpu.memory_space<vmem_shared>>
    %dma_wait3A_419 = tpu.memref_squeeze %dma_wait3A_418 : memref<1x1x128x128xf32, #tpu.memory_space<vmem_shared>> -> memref<128x128xf32, #tpu.memory_space<vmem_shared>>
    tpu.wait_dma2 semaphore(%arg14 : memref<!tpu.dma_semaphore, #tpu.memory_space<semaphore_mem>>) src(%dma_wait3A_419 : memref<128x128xf32, #tpu.memory_space<vmem_shared>>) dst(%dma_wait3A_415 : memref<128x128xf32, #tpu.memory_space<hbm>>)
    %mul3A_420 = arith.constant 200 : i32
    %mul3A_421 = arith.muli %add3A, %mul3A_420 : i32
    %add3A_422 = arith.constant 199 : i32
    %add3A_423 = arith.addi %mul3A_421, %add3A_422 : i32
    %dma_wait3A_424 = arith.constant 1 : i32
    %dma_wait3A_425 = arith.constant 0 : i32
    %dma_wait3A_426 = arith.constant 0 : i32
    %dma_wait3A_427 = tpu.memref_slice %arg4[%add3A_423, %dma_wait3A_425, %dma_wait3A_426] : memref<6400x128x128xf32, #tpu.memory_space<hbm>> -> memref<1x128x128xf32, #tpu.memory_space<hbm>>
    %dma_wait3A_428 = tpu.memref_squeeze %dma_wait3A_427 : memref<1x128x128xf32, #tpu.memory_space<hbm>> -> memref<128x128xf32, #tpu.memory_space<hbm>>
    %dma_wait3A_429 = arith.constant 0 : i32
    %dma_wait3A_430 = arith.constant 0 : i32
    %dma_wait3A_431 = tpu.memref_slice %arg7[%arg1, %dma_wait3A_424, %dma_wait3A_429, %dma_wait3A_430] : memref<16x3x128x128xf32, #tpu.memory_space<vmem_shared>> -> memref<1x1x128x128xf32, #tpu.memory_space<vmem_shared>>
    %dma_wait3A_432 = tpu.memref_squeeze %dma_wait3A_431 : memref<1x1x128x128xf32, #tpu.memory_space<vmem_shared>> -> memref<128x128xf32, #tpu.memory_space<vmem_shared>>
    tpu.wait_dma2 semaphore(%arg15 : memref<!tpu.dma_semaphore, #tpu.memory_space<semaphore_mem>>) src(%dma_wait3A_432 : memref<128x128xf32, #tpu.memory_space<vmem_shared>>) dst(%dma_wait3A_428 : memref<128x128xf32, #tpu.memory_space<hbm>>)
    return
  }
}

</mosaic_0001>

<sc_bundles>
// kernel: kernel.3.cloned.1.call-start
scs
__scs_entry_jumppad:
0x0: {  	(pc) =	sbr.rel $0x88, $3  }
0x1: {  	(tag) =	ssettag $0x0;
	lr =	simm.s32 $0x1  }
0x2: {  	[smem:$0x3F9F] =	sst lr;
	_ =	strace $0xD0000000  }
0x3: {  	_ = 	snop  }
0x4: {  	_ = 	snop  }
0x5: {  	_ = 	snop  }
0x6: {  	_ = 	snop  }
0x7: {  	_ = 	snop  }
__scs_overlays_trampoline_lowered:
0x8: {  	[smem:$0x3FAE] =	sst s0  }
0x9: {  	[smem:$0x3FAF] =	sst s1  }
0xa: {  	[smem:$0x3FB0] =	sst s2  }
0xb: {  	[smem:$0x3FB1] =	sst s3  }
0xc: {  	[smem:$0x3FB2] =	sst s4  }
0xd: {  	[smem:$0x3FB3] =	sst s5  }
0xe: {  	[smem:$0x3FB4] =	sst s6  }
0xf: {  	[smem:$0x3FB5] =	sst s7  }
0x10: {  	[smem:$0x3FB6] =	sst s8  }
0x11: {  	[smem:$0x3FB7] =	sst s9;
	s0 =	simm.s32 @!p0 $0x0  }
0x12: {  	s1 =	sld [smem:$0x3F9D];
	s0 =	simm.s32 @p0 $0x1  }
0x13: {  	[smem:$0x3FB8] =	sst s0;
	s0 =	simm.s32 @!p1 $0x0  }
0x14: {  	s2 =	sld [smem:$0x3F9C];
	s0 =	simm.s32 @p1 $0x1  }
0x15: {  	[smem:$0x3FB9] =	sst s0;
	s0 =	simm.s32 @!p2 $0x0  }
0x16: {  	s3 =	sld [smem:$0x3FDB];
	s0 =	simm.s32 @p2 $0x1  }
0x17: {  	s4 =	simm.s32 $0x1BF5;
	[smem:$0x3FBB] =	sst s0  }
0x18: {  	s0 =	sld [smem:$0x3F9E];
	_ =	swait.ge [sflag:s4], $0x0  }
0x19: {  	s7 =	sld [smem:$0x3F9F]  }
0x1a: {  	s8 =	sadd.s32 $0xFFFFE003, lr  }
0x1b: {  	s9 =	sadd.s32 $0xFFFFFEF7, lr;
	s5 =	simm.s32 $0xFFFFFFFF;
	p2 =	slt.u32 s8, $0xFFFFF086  }
0x1c: {  	p1 =	slt.u32 s9, $0xF7A;
	s5 =	simm.s32 @!p2 $0x0  }
0x1d: {  	s5 =	simm.s32 @p1 $0x1;
	p0 =	seq.s32 s7, s2  }
0x1e: {  	s7 =	smul.u32 @!p0 $0xF7A, s2;
	p2 =	seq.s32 @!p0 s5, $0x0  }
0x1f: {  	s9 =	smul.u32 $0xF7A, s1;
	s8 =	simm.s32 @!p0 $0x1BF5;
	p2 =	por !p2, p0  }
0x20: {  	[sflag:s8] =	ssyncset.s32 @!p0 $0xFFFFF086;
	s6 =	sadd.s32 @!p0 s3, s7;
	s7 =	simm.s32 @!p0 $0x108  }
0x21: {  	s3 =	sadd.s32 s3, s9;
	s6 =	sadd.s32 @!p0 $0x88, s6;
	s7 =	simm.s32 @p2 $0x1082  }
0x22: {  	[simem:s7], [sflag:s8] =	dma.local @!p0 [hbm:s6], $0xF7A  }
0x23: {  	s9 =	sor.u32 $0xD0000000, s2;
	s6 =	simm.s32 $0x108;
	_ =	swait.ge @!p0 [sflag:s8], $0x0  }
0x24: {  	s3 =	sadd.s32 $0x88, s3;
	s6 =	simm.s32 @!p1 $0x1082;
	[sflag:s4] =	ssyncset.s32 $0xFFFFF086  }
0x25: {  	[simem:s6], [sflag:s4] =	dma.local [hbm:s3], $0xF7A  }
0x26: {  	[smem:$0x3F9F] =	sst s1;
	(tag) =	ssettag s2;
	_ =	strace s9  }
0x27: {  	s1 =	sld [smem:$0x3FAF]  }
0x28: {  	s2 =	sld [smem:$0x3FB0]  }
0x29: {  	s4 =	sld [smem:$0x3FB2]  }
0x2a: {  	p0 =	seq.s32 s5, $0x0;
	s5 =	sld [smem:$0x3FB3]  }
0x2b: {  	s6 =	sld [smem:$0x3FB4]  }
0x2c: {  	s7 =	sld [smem:$0x3FB5]  }
0x2d: {  	s3 =	simm.s32 $0x108;
	s8 =	sld [smem:$0x3FB6]  }
0x2e: {  	s3 =	simm.s32 @!p0 $0x1082;
	s9 =	sld [smem:$0x3FB7]  }
0x2f: {  	lr =	sadd.s32 s0, s3;
	s0 =	sld [smem:$0x3FAE]  }
0x30: {  	s3 =	sld [smem:$0x3FB1]  }
0x31: {  	[smem:$0x3FBA] =	sst s10  }
0x32: {  	s10 =	sld [smem:$0x3FB8];
	_ =	sdelay $0x3  }
0x33: {  	p0 =	seq.s32 s10, $0x1;
	s10 =	sld [smem:$0x3FBA];
	_ =	sdelay $0x3  }
0x34: {  	[smem:$0x3FBA] =	sst s10  }
0x35: {  	s10 =	sld [smem:$0x3FB9];
	_ =	sdelay $0x3  }
0x36: {  	p1 =	seq.s32 s10, $0x1;
	s10 =	sld [smem:$0x3FBA];
	_ =	sdelay $0x3  }
0x37: {  	[smem:$0x3FBA] =	sst s10  }
0x38: {  	s10 =	sld [smem:$0x3FBB]  }
0x39: {  	_ = 	snop;
	(pc) =	sbr.ind lr, $3  }
0x3a: {  	_ = 	snop  }
0x3b: {  	_ = 	snop  }
0x3c: {  	p2 =	seq.s32 s10, $0x1;
	s10 =	sld [smem:$0x3FBA]  }
0x3d: {  	_ =	shalt  }
0x3e: {  	_ =	shalt  }
0x3f: {  	_ =	shalt  }
0x40: {  	_ =	shalt  }
0x41: {  	_ =	shalt  }
0x42: {  	_ =	shalt  }
0x43: {  	_ =	shalt  }
0x44: {  	_ =	shalt  }
0x45: {  	_ =	shalt  }
0x46: {  	_ =	shalt  }
0x47: {  	_ =	shalt  }
0x48: {  	_ =	shalt  }
0x49: {  	_ =	shalt  }
0x4a: {  	_ =	shalt  }
0x4b: {  	_ =	shalt  }
0x4c: {  	_ =	shalt  }
0x4d: {  	_ =	shalt  }
0x4e: {  	_ =	shalt  }
0x4f: {  	_ =	shalt  }
0x50: {  	_ =	shalt  }
0x51: {  	_ =	shalt  }
0x52: {  	_ =	shalt  }
0x53: {  	_ =	shalt  }
0x54: {  	_ =	shalt  }
0x55: {  	_ =	shalt  }
0x56: {  	_ =	shalt  }
0x57: {  	_ =	shalt  }
0x58: {  	_ =	shalt  }
0x59: {  	_ =	shalt  }
0x5a: {  	_ =	shalt  }
0x5b: {  	_ =	shalt  }
0x5c: {  	_ =	shalt  }
0x5d: {  	_ =	shalt  }
0x5e: {  	_ =	shalt  }
0x5f: {  	_ =	shalt  }
0x60: {  	_ =	shalt  }
0x61: {  	_ =	shalt  }
0x62: {  	_ =	shalt  }
0x63: {  	_ =	shalt  }
0x64: {  	_ =	shalt  }
0x65: {  	_ =	shalt  }
0x66: {  	_ =	shalt  }
0x67: {  	_ =	shalt  }
0x68: {  	_ =	shalt  }
0x69: {  	_ =	shalt  }
0x6a: {  	_ =	shalt  }
0x6b: {  	_ =	shalt  }
0x6c: {  	_ =	shalt  }
0x6d: {  	_ =	shalt  }
0x6e: {  	_ =	shalt  }
0x6f: {  	_ =	shalt  }
0x70: {  	_ =	shalt  }
0x71: {  	_ =	shalt  }
0x72: {  	_ =	shalt  }
0x73: {  	_ =	shalt  }
0x74: {  	_ =	shalt  }
0x75: {  	_ =	shalt  }
0x76: {  	_ =	shalt  }
0x77: {  	_ =	shalt  }
0x78: {  	_ =	shalt  }
0x79: {  	_ =	shalt  }
0x7a: {  	_ =	shalt  }
0x7b: {  	_ =	shalt  }
0x7c: {  	_ =	shalt  }
0x7d: {  	_ =	shalt  }
0x7e: {  	_ =	shalt  }
0x7f: {  	_ =	shalt  }
0x80: {  	_ =	shalt  }
0x81: {  	_ =	shalt  }
0x82: {  	_ =	shalt  }
0x83: {  	_ =	shalt  }
0x84: {  	_ =	shalt  }
0x85: {  	_ =	shalt  }
0x86: {  	_ =	shalt  }
0x87: {  	_ =	shalt  }
.Lfunc_end0:
.L_simem_size_0:
called_computation_lowered:
.L_overlay_start_0:
0x88: {  	s2 =	sld [smem:$0x3FD9]  }
0x89: {  	s3 =	sld [smem:$0x3FFE];
	_ =	sdelay $0x1  }
0x8a: {  	s1 =	srdreg.scid  }
0x8b: {  	s0 =	sand.u32 $0x1, s1  }
0x8c: {  	s17 =	sshll.u32 s0, $0xA;
	s2 =	sadd.s32 s3, s2  }
0x8d: {  	s2 =	sadd.s32 s2, s17  }
0x8e: {  	[smem:$0x3FC6] =	sst s2  }
0x8f: {  	_ = 	snop  }
0x90: {  	s2 =	sld [smem:$0x3FC8]  }
0x91: {  	s18 =	sld [smem:$0x3FD0];
	(tm) =	ssettm $0x1  }
0x92: {  	s4 =	sld [smem:$0x3FFB];
	_ =	sdelay $0x3  }
0x93: {  	_ =	strace s4  }
0x94: {  	s4 =	sld [smem:$0x3FFC];
	_ =	sdelay $0x3  }
0x95: {  	_ =	strace s4  }
0x96: {  	s4 =	sld [smem:$0x3FFD];
	_ =	sdelay $0x3  }
0x97: {  	_ =	strace s4  }
0x98: {  	_ =	strace $0x8FFFFFFF  }
0x99: {  	s19 =	sld [smem:$0x3FDB];
	_ =	sdelay $0x1  }
0x9a: {  	s5 =	simm.s32 $_scs_section_size  }
0x9b: {  	s6 =	simm.s32 $_size__tile_overlayer_lowered;
	s7 =	simm.s32 $_tile_overlayer_lowered  }
0x9c: {  	s22 =	simm.s32 $0x1BFF;
	s21 =	sshll.u32 s7, $0x1;
	s4 =	sadd.s32 s5, s19  }
0x9d: {  	s8 =	simm.s32 $0x0;
	s20 =	sshll.u32 s6, $0x1;
	s6 =	sadd.s32 s21, s4  }
0x9e: {  	[timem:s8], [sflag:s22] =	dma.local [hbm:s6], s20  }
0x9f: {  	_ =	swait.ge [sflag:s22], s20  }
0xa0: {  	s5 =	ssub.s32 $0x0, s20;
	[sflag:s22] =	ssyncset.done $0x0  }
0xa1: {  	[sflag:s22] =	ssyncadd.s32 s5;
	_ =	sdelay $0x1  }
0xa2: {  	s23 =	simm.s32 $0x1B8B  }
0xa3: {  	_ =	swait.ge [sflag:s23], $0x1  }
0xa4: {  	[sflag:s23] =	ssyncset.done $0x0  }
0xa5: {  	s25 =	simm.s32 $0x1B8E;
	s24 =	sld [smem:$0x3FFE];
	[sflag:s23] =	ssyncadd.s32 $0xFFFFFFFF  }
0xa6: {  	s26 =	simm.s32 $execute0_lowered;
	[smem:$0x3FD2] =	sst s25  }
0xa7: {  	s6 =	sshll.u32 s26, $0x1;
	_ =	strace $0x80000046;
	[dreg:$0x1] =	wrdreg $0xFFFFFFFF  }
0xa8: {  	s28 =	simm.s32 $_size_execute0_lowered;
	s4 =	sadd.s32 s4, s6;
	[dreg:$0x0] =	wrdreg $0x0  }
0xa9: {  	s6 =	sshll.u32 s28, $0x1;
	[dreg:$0x2] =	wrdreg s4  }
0xaa: {  	[dreg:$0x3] =	wrdreg s6  }
0xab: {  	[dreg:$0x4] =	wrdreg $0xC0  }
0xac: {  	_ =	task [dreg:s8], $0x5FFFF  }
0xad: {  	[dreg:$0x1] =	wrdreg $0xFFFFFFFF  }
0xae: {  	[dreg:$0x0] =	wrdreg $0x60  }
0xaf: {  	[dreg:$0x2] =	wrdreg s2  }
0xb0: {  	[dreg:$0x3] =	wrdreg s24  }
0xb1: {  	[dreg:$0x4] =	wrdreg s18  }
0xb2: {  	[dreg:$0x5] =	wrdreg $0x124000  }
0xb3: {  	[dreg:$0x6] =	wrdreg $0x9  }
0xb4: {  	_ =	task.clear_ibuf [dreg:s8], $0x7FFFF;
	_ =	strace $0x90000046  }
0xb5: {  	s29 =	simm.s32 $0x9;
	_ =	strace $0x80000048  }
0xb6: {  	_ =	swait.ge [sflag:s29], $0x1  }
0xb7: {  	[sflag:s29] =	ssyncadd.s32 $0xFFFFFFFF  }
0xb8: {  	_ =	strace $0x90000048  }
0xb9: {  	_ =	sfence  }
0xba: {  	s30 =	sld [smem:$0x0];
	_ =	sdelay $0x2  }
0xbb: {  	s31 =	sshll.u32 s1, $0xD;
	s1 =	sshrl.u32 s1, $0x2  }
0xbc: {  	s3 =	sand.u32 $0x4000, s31;
	s1 =	sadd.s32 s1, s30  }
0xbd: {  	s0 =	sor.u32 s3, s0;
	s1 =	sshll.u32 s1, $0x11  }
0xbe: {  	s0 =	sor.u32 s1, s0  }
0xbf: {  	s0 =	sadd.s32 $0x8F2B, s0  }
0xc0: {  	[sflag:s0] =	ssyncadd.remote.s32 $0x1  }
0xc1: {  	_ =	sfence.sel $0xFFFF  }
0xc2: {  	[dreg:$0x0] =	wrdreg $0xFFFFFFFF;
	(pc) =	sbr.abs _section_cstart, $3  }
0xc3: {  	[dreg:$0x1] =	wrdreg $0xFFFFFFFF  }
0xc4: {  	_ =	task.clear_ibuf [dreg:s8], $0x2FFFF;
	_ =	strace $0x9FFFFFFF  }
0xc5: {  	(tm) =	ssettm $0x7FFFFFFF  }
tec
execute0_lowered:
.L_overlay_start_1:
0x0: {  	(tag) =	ssettag $0x1  }
0x1: {  	s1 =	rddreg [dreg:$0x0]  }
0x2: {  	s0 =	rddreg [dreg:$0x1]  }
0x3: {  	s2 =	srdreg.scid;
	s3 =	rddreg [dreg:$0x2]  }
0x4: {  	s12 =	stileid.u32;
	s5 =	rddreg [dreg:$0x3];
	s7 =	simm.s32 $0x0  }
0x5: {  	s15 =	simm.s32 $0xA;
	s16 =	simm.s32 $0x80;
	s17 =	simm.s32 $0x6400  }
0x6: {  	s29 =	simm.s32 $0x3;
	s30 =	simm.s32 $0x5;
	s18 =	smul.u32 $0x30000, s12  }
0x7: {  	s2 =	sand.u32 $0x1, s2;
	s4 =	sshll.u32 s12, $0x1;
	s10 =	smul.u32 $0x190, s12  }
0x8: {  	s4 =	sor.u32 s2, s4;
	s19 =	ssub.s32 $0x2, s2;
	s2 =	smul.u32 $0xC8, s2  }
0x9: {  	s31 =	simm.s32 $0x7;
	[smem:$0x7FF] =	sst s7;
	s6 =	smul.u32 $0xC80, s4  }
0xa: {  	s28 =	simm.s32 $0x0;
	_ =	strace $0x80000047;
	s8 =	smul.u32 $0x64000, s4  }
0xb: {  	s9 =	smul.u32 $0x320000, s4;
	s20 =	sshrl.u32 s19, $0x1;
	s7 =	sshrl.u32 s18, $0x2  }
0xc: {  	s18 =	simm.s32 $0xA400;
	s11 =	ssub.s32 s19, s20;
	s4 =	sadd.s32 s7, s5  }
0xd: {  	s2 =	sadd.s32 s2, s10;
	s19 =	simm.s32 $0x1;
	s20 =	simm.s32 $0x9  }
0xe: {  	s0 =	sadd.s32 s6, s0;
	s6 =	sadd.s32 $0x4000, s4;
	s21 =	sshrl.u32 s9, $0x3  }
0xf: {  	s22 =	sadd.s32 s3, s8;
	s8 =	sadd.s32 $0x8000, s4;
	s2 =	sshll.u32 s2, $0xB  }
0x10: {  	s26 =	smax.u32 s11, $0x1;
	s0 =	sadd.s32 $0x400, s0;
	[dreg:$0x6] =	wrdreg s22  }
0x11: {  	s2 =	sadd.s32 s2, s3;
	[dreg:$0x5] =	wrdreg s0;
	s0 =	sadd.s32 s3, s21  }
0x12: {  	[dreg:$0xb] =	wrdreg s26;
	s22 =	simm.s32 $0x2;
	s23 =	sadd.s32 $0x62000, s0  }
0x13: {  	s26 =	sshrl.u32 s4, $0x3;
	s24 =	sadd.s32 $0x62800, s0;
	[dreg:$0x7] =	wrdreg s23  }
0x14: {  	s14 =	sadd.s32 $0x1800, s2;
	s25 =	sadd.s32 $0x63000, s0;
	[dreg:$0x8] =	wrdreg s24  }
0x15: {  	s21 =	simm.s32 $0xE400;
	s0 =	sadd.s32 $0x63800, s0;
	[dreg:$0x9] =	wrdreg s25  }
0x16: {  	s2 =	simm.s32 $0x6;
	[dreg:$0xa] =	wrdreg s0;
	s23 =	sshll.u32 s12, $0x6  }
0x17: {  	s24 =	simm.s32 $0x4;
	s0 =	simm.s32 $0x8;
	s25 =	sor.u32 $0x1C07, s23  }
.LBB2_1:
0x18: {  	s3 =	simm.s32 $0x0;
	s5 =	rddreg [dreg:$0x5]  }
0x19: {  	[tilespmem:s3], [sflag:$0xA] =	stream.linear.gather [hbm4b:s5+s3], $0x6400, $0x38;
	[tilespmem:$0x1E400] =	vst v63  }
0x1a: {  	_ =	swait.ge [sflag:s15], $0x6400  }
0x1b: {  	[sflag:s15] =	ssyncset.done $0x0  }
0x1c: {  	[sflag:s15] =	ssyncadd.s32 $0xFFFF9C00  }
0x1d: {  	[tilespmem:s17], [sflag:$0x1] =	stream.indirect.gather [hbm4b:s1+s16], $0x80, s3, s16, $0xb8;
	[tilespmem:$0x1E400] =	vst v63  }
0x1e: {  	_ = 	snop  }
0x1f: {  	[tilespmem:s18], [sflag:$0x2] =	stream.indirect.gather [hbm4b:s1+s16], $0x80, s16, s16, $0xb8;
	[tilespmem:$0x1E400] =	vst v63  }
0x20: {  	_ =	swait.ge [sflag:s19], $0x4000  }
0x21: {  	[sflag:s19] =	ssyncset.done $0x0  }
0x22: {  	[sflag:s19] =	ssyncadd.s32 $0xFFFFC000  }
0x23: {  	[spmem:s4] =	stream.linear.scatter [tilespmem:s17], [sflag:$0x4], $0x4000, $0x38;
	[tilespmem:$0x1E400] =	vst v63  }
0x24: {  	s9 =	simm.s32 $0x100  }
0x25: {  	[tilespmem:s21], [sflag:$0x3] =	stream.indirect.gather [hbm4b:s1+s16], $0x80, s9, s16, $0xb8;
	[tilespmem:$0x1E400] =	vst v63  }
0x26: {  	_ =	swait.ge [sflag:s22], $0x4000  }
0x27: {  	[sflag:s22] =	ssyncset.done $0x0  }
0x28: {  	[sflag:s22] =	ssyncadd.s32 $0xFFFFC000  }
0x29: {  	[spmem:s6] =	stream.linear.scatter [tilespmem:s18], [sflag:$0x5], $0x4000, $0x38;
	[tilespmem:$0x1E400] =	vst v63  }
0x2a: {  	_ =	swait.ge [sflag:s24], $0x4000  }
0x2b: {  	[sflag:s24] =	ssyncset.done $0x0  }
0x2c: {  	s11 =	simm.s32 $0x180;
	s10 =	rddreg [dreg:$0x6];
	[sflag:s24] =	ssyncadd.s32 $0xFFFFC000  }
0x2d: {  	[hbm:s10], [sflag:s25] =	dma.local [spmem:s26], $0x800  }
0x2e: {  	[tilespmem:s17], [sflag:$0x1] =	stream.indirect.gather [hbm4b:s1+s16], $0x80, s11, s16, $0xb8;
	[tilespmem:$0x1E400] =	vst v63  }
0x2f: {  	_ =	swait.ge [sflag:s29], $0x4000  }
0x30: {  	[sflag:s29] =	ssyncset.done $0x0  }
0x31: {  	[sflag:s29] =	ssyncadd.s32 $0xFFFFC000  }
0x32: {  	[spmem:s8] =	stream.linear.scatter [tilespmem:s21], [sflag:$0x6], $0x4000, $0x38;
	[tilespmem:$0x1E400] =	vst v63  }
0x33: {  	_ =	swait.ge [sflag:s30], $0x4000  }
0x34: {  	s7 =	sadd.s32 $0xFFFFF000, s14;
	[sflag:s30] =	ssyncset.done $0x0  }
0x35: {  	s5 =	sor.u32 $0x1C08, s23;
	s3 =	sshrl.u32 s6, $0x3;
	[sflag:s30] =	ssyncadd.s32 $0xFFFFC000  }
0x36: {  	[hbm:s7], [sflag:s5] =	dma.local [spmem:s3], $0x800  }
0x37: {  	_ =	swait.ge [sflag:s31], $0x800  }
0x38: {  	[sflag:s31] =	ssyncset.done $0x0  }
0x39: {  	s12 =	simm.s32 $0x200;
	[sflag:s31] =	ssyncadd.s32 $0xFFFFF800  }
0x3a: {  	[tilespmem:s18], [sflag:$0x2] =	stream.indirect.gather [hbm4b:s1+s16], $0x80, s12, s16, $0xb8;
	[tilespmem:$0x1E400] =	vst v63  }
0x3b: {  	_ =	swait.ge [sflag:s19], $0x4000  }
0x3c: {  	[sflag:s19] =	ssyncset.done $0x0  }
0x3d: {  	[sflag:s19] =	ssyncadd.s32 $0xFFFFC000  }
0x3e: {  	[spmem:s4] =	stream.linear.scatter [tilespmem:s17], [sflag:$0x4], $0x4000, $0x38;
	[tilespmem:$0x1E400] =	vst v63  }
0x3f: {  	_ =	swait.ge [sflag:s2], $0x4000  }
0x40: {  	s9 =	sor.u32 $0x1C09, s23;
	[sflag:s2] =	ssyncset.done $0x0  }
0x41: {  	s10 =	sadd.s32 $0xFFFFF800, s14;
	s7 =	sshrl.u32 s8, $0x3;
	[sflag:s2] =	ssyncadd.s32 $0xFFFFC000  }
0x42: {  	[hbm:s10], [sflag:s9] =	dma.local [spmem:s7], $0x800  }
0x43: {  	_ =	swait.ge [sflag:s0], $0x800  }
0x44: {  	[sflag:s0] =	ssyncset.done $0x0  }
0x45: {  	s13 =	simm.s32 $0x280;
	[sflag:s0] =	ssyncadd.s32 $0xFFFFF800  }
0x46: {  	[tilespmem:s21], [sflag:$0x3] =	stream.indirect.gather [hbm4b:s1+s16], $0x80, s13, s16, $0xb8;
	[tilespmem:$0x1E400] =	vst v63  }
0x47: {  	_ =	swait.ge [sflag:s22], $0x4000  }
0x48: {  	[sflag:s22] =	ssyncset.done $0x0  }
0x49: {  	[sflag:s22] =	ssyncadd.s32 $0xFFFFC000  }
0x4a: {  	[spmem:s6] =	stream.linear.scatter [tilespmem:s18], [sflag:$0x5], $0x4000, $0x38;
	[tilespmem:$0x1E400] =	vst v63  }
0x4b: {  	_ =	swait.ge [sflag:s24], $0x4000  }
0x4c: {  	[sflag:s24] =	ssyncset.done $0x0  }
0x4d: {  	[sflag:s24] =	ssyncadd.s32 $0xFFFFC000  }
0x4e: {  	[hbm:s14], [sflag:s25] =	dma.local [spmem:s26], $0x800  }
0x4f: {  	_ =	swait.ge [sflag:s20], $0x800  }
0x50: {  	s11 =	sadd.s32 $0x1800, s14;
	[sflag:s20] =	ssyncset.done $0x0  }
0x51: {  	s12 =	simm.s32 $0x300;
	s10 =	simm.s32 $0x600;
	[sflag:s20] =	ssyncadd.s32 $0xFFFFF800  }
.LBB2_2:
0x52: {  	[tilespmem:s17], [sflag:$0x1] =	stream.indirect.gather [hbm4b:s1+s16], $0x80, s12, s16, $0xb8;
	[tilespmem:$0x1E400] =	vst v63  }
0x53: {  	s12 =	smov.u32 s10  }
0x54: {  	p0 =	sne.s32 s10, $0x18000;
	s10 =	sadd.s32 $0x600, s10;
	_ =	swait.ge [sflag:s29], $0x4000  }
0x55: {  	[sflag:s29] =	ssyncset.done $0x0  }
0x56: {  	[sflag:s29] =	ssyncadd.s32 $0xFFFFC000  }
0x57: {  	[spmem:s8] =	stream.linear.scatter [tilespmem:s21], [sflag:$0x6], $0x4000, $0x38;
	[tilespmem:$0x1E400] =	vst v63  }
0x58: {  	_ =	swait.ge [sflag:s30], $0x4000  }
0x59: {  	[sflag:s30] =	ssyncset.done $0x0  }
0x5a: {  	s13 =	sadd.s32 $0xFFFFF000, s11;
	[sflag:s30] =	ssyncadd.s32 $0xFFFFC000  }
0x5b: {  	[hbm:s13], [sflag:s5] =	dma.local [spmem:s3], $0x800  }
0x5c: {  	_ =	swait.ge [sflag:s31], $0x800  }
0x5d: {  	s12 =	sshra.s32 s12, $0x2;
	[sflag:s31] =	ssyncset.done $0x0  }
0x5e: {  	s13 =	sadd.s32 $0x200, s12;
	[sflag:s31] =	ssyncadd.s32 $0xFFFFF800  }
0x5f: {  	[tilespmem:s18], [sflag:$0x2] =	stream.indirect.gather [hbm4b:s1+s16], $0x80, s13, s16, $0xb8;
	[tilespmem:$0x1E400] =	vst v63  }
0x60: {  	_ =	swait.ge [sflag:s19], $0x4000  }
0x61: {  	[sflag:s19] =	ssyncset.done $0x0  }
0x62: {  	[sflag:s19] =	ssyncadd.s32 $0xFFFFC000  }
0x63: {  	[spmem:s4] =	stream.linear.scatter [tilespmem:s17], [sflag:$0x4], $0x4000, $0x38;
	[tilespmem:$0x1E400] =	vst v63  }
0x64: {  	_ =	swait.ge [sflag:s2], $0x4000  }
0x65: {  	[sflag:s2] =	ssyncset.done $0x0  }
0x66: {  	s13 =	sadd.s32 $0xFFFFF800, s11;
	[sflag:s2] =	ssyncadd.s32 $0xFFFFC000  }
0x67: {  	[hbm:s13], [sflag:s9] =	dma.local [spmem:s7], $0x800  }
0x68: {  	_ =	swait.ge [sflag:s0], $0x800  }
0x69: {  	[sflag:s0] =	ssyncset.done $0x0  }
0x6a: {  	s13 =	sadd.s32 $0x280, s12;
	[sflag:s0] =	ssyncadd.s32 $0xFFFFF800  }
0x6b: {  	[tilespmem:s21], [sflag:$0x3] =	stream.indirect.gather [hbm4b:s1+s16], $0x80, s13, s16, $0xb8;
	[tilespmem:$0x1E400] =	vst v63  }
0x6c: {  	_ =	swait.ge [sflag:s22], $0x4000  }
0x6d: {  	[sflag:s22] =	ssyncset.done $0x0  }
0x6e: {  	[sflag:s22] =	ssyncadd.s32 $0xFFFFC000  }
0x6f: {  	[spmem:s6] =	stream.linear.scatter [tilespmem:s18], [sflag:$0x5], $0x4000, $0x38;
	[tilespmem:$0x1E400] =	vst v63  }
0x70: {  	_ =	swait.ge [sflag:s24], $0x4000  }
0x71: {  	[sflag:s24] =	ssyncset.done $0x0  }
.Ltmp0:
0x72: {  	[sflag:s24] =	ssyncadd.s32 $0xFFFFC000;
	(pc) =	sbr.rel @p0 .LBB2_2-.Ltmp0, $4  }
0x73: {  	[hbm:s11], [sflag:s25] =	dma.local [spmem:s26], $0x800  }
0x74: {  	_ =	swait.ge [sflag:s20], $0x800  }
0x75: {  	[sflag:s20] =	ssyncset.done $0x0  }
0x76: {  	s12 =	sadd.s32 $0x300, s12;
	s11 =	sadd.s32 $0x1800, s11;
	[sflag:s20] =	ssyncadd.s32 $0xFFFFF800  }
0x77: {  	[tilespmem:s17], [sflag:$0x1] =	stream.indirect.gather [hbm4b:s1+s16], $0x80, s12, s16, $0xb8;
	[tilespmem:$0x1E400] =	vst v63  }
0x78: {  	_ =	swait.ge [sflag:s29], $0x4000  }
0x79: {  	[sflag:s29] =	ssyncset.done $0x0  }
0x7a: {  	[sflag:s29] =	ssyncadd.s32 $0xFFFFC000  }
0x7b: {  	[spmem:s8] =	stream.linear.scatter [tilespmem:s21], [sflag:$0x6], $0x4000, $0x38;
	[tilespmem:$0x1E400] =	vst v63  }
0x7c: {  	_ =	swait.ge [sflag:s30], $0x4000  }
0x7d: {  	[sflag:s30] =	ssyncset.done $0x0  }
0x7e: {  	s10 =	rddreg [dreg:$0x7];
	[sflag:s30] =	ssyncadd.s32 $0xFFFFC000  }
0x7f: {  	[hbm:s10], [sflag:s5] =	dma.local [spmem:s3], $0x800  }
0x80: {  	_ =	swait.ge [sflag:s31], $0x800  }
0x81: {  	[sflag:s31] =	ssyncset.done $0x0  }
0x82: {  	s12 =	simm.s32 $0x6380;
	[sflag:s31] =	ssyncadd.s32 $0xFFFFF800  }
0x83: {  	[tilespmem:s18], [sflag:$0x2] =	stream.indirect.gather [hbm4b:s1+s16], $0x80, s12, s16, $0xb8;
	[tilespmem:$0x1E400] =	vst v63  }
0x84: {  	_ =	swait.ge [sflag:s19], $0x4000  }
0x85: {  	[sflag:s19] =	ssyncset.done $0x0  }
0x86: {  	[sflag:s19] =	ssyncadd.s32 $0xFFFFC000  }
0x87: {  	[spmem:s4] =	stream.linear.scatter [tilespmem:s17], [sflag:$0x4], $0x4000, $0x38;
	[tilespmem:$0x1E400] =	vst v63  }
0x88: {  	_ =	swait.ge [sflag:s2], $0x4000  }
0x89: {  	[sflag:s2] =	ssyncset.done $0x0  }
0x8a: {  	s13 =	rddreg [dreg:$0x8];
	[sflag:s2] =	ssyncadd.s32 $0xFFFFC000  }
0x8b: {  	[hbm:s13], [sflag:s9] =	dma.local [spmem:s7], $0x800  }
0x8c: {  	_ =	swait.ge [sflag:s0], $0x800  }
0x8d: {  	[sflag:s0] =	ssyncset.done $0x0  }
0x8e: {  	[sflag:s0] =	ssyncadd.s32 $0xFFFFF800  }
0x8f: {  	_ =	swait.ge [sflag:s22], $0x4000  }
0x90: {  	[sflag:s22] =	ssyncset.done $0x0  }
0x91: {  	[sflag:s22] =	ssyncadd.s32 $0xFFFFC000  }
0x92: {  	[spmem:s6] =	stream.linear.scatter [tilespmem:s18], [sflag:$0x5], $0x4000, $0x38;
	[tilespmem:$0x1E400] =	vst v63  }
0x93: {  	_ =	swait.ge [sflag:s24], $0x4000  }
0x94: {  	[sflag:s24] =	ssyncset.done $0x0  }
0x95: {  	s11 =	rddreg [dreg:$0x9];
	[sflag:s24] =	ssyncadd.s32 $0xFFFFC000  }
0x96: {  	[hbm:s11], [sflag:s25] =	dma.local [spmem:s26], $0x800  }
0x97: {  	_ =	swait.ge [sflag:s20], $0x800  }
0x98: {  	[sflag:s20] =	ssyncset.done $0x0  }
0x99: {  	[sflag:s20] =	ssyncadd.s32 $0xFFFFF800  }
0x9a: {  	_ =	swait.ge [sflag:s30], $0x4000  }
0x9b: {  	[sflag:s30] =	ssyncset.done $0x0  }
0x9c: {  	s12 =	rddreg [dreg:$0xa];
	[sflag:s30] =	ssyncadd.s32 $0xFFFFC000  }
0x9d: {  	[hbm:s12], [sflag:s5] =	dma.local [spmem:s3], $0x800  }
0x9e: {  	_ =	swait.ge [sflag:s31], $0x800  }
0x9f: {  	[sflag:s31] =	ssyncset.done $0x0  }
0xa0: {  	[sflag:s31] =	ssyncadd.s32 $0xFFFFF800  }
0xa1: {  	_ =	swait.ge [sflag:s0], $0x800  }
0xa2: {  	s28 =	sadd.s32 $0x1, s28;
	s13 =	rddreg [dreg:$0xb]  }
0xa3: {  	p0 =	sne.s32 s28, s13  }
.Ltmp1:
0xa4: {  	_ = 	snop;
	(pc) =	sbr.rel @p0 .LBB2_1-.Ltmp1, $3  }
0xa5: {  	_ =	sdelay $0x1  }
0xa6: {  	[sflag:s0] =	ssyncset.done $0x0  }
0xa7: {  	[sflag:s0] =	ssyncadd.s32 $0xFFFFF800  }
0xa8: {  	_ =	sfence.sel $0x180000  }
0xa9: {  	[bflag:$0x0] =	sbarrier.arrive $0xFFFF  }
0xaa: {  	_ =	strace $0x90000047  }
0xab: {  	s0 =	stileid.u32;
	[bflag:$0x2] =	sbarrier.arrive $0xFFFF  }
0xac: {  	p0 =	sne.s32 s0, $0x0;
	s0 =	rddreg [dreg:$0x4]  }
0xad: {  	s0 =	sadd.s32 @!p0 $0x100000, s0  }
0xae: {  	[sflag:s0] =	ssyncadd.tile.s32 @!p0 $0x1;
	_ =	shalt  }
.Lfunc_end2:
_tile_overlayer_lowered:
.L_overlay_start_2:
0xaf: {  	(tag) =	ssettag $0x2  }
0xb0: {  	s0 =	rddreg [dreg:$0x0];
	s2 =	stileid.u32  }
0xb1: {  	s1 =	rddreg [dreg:$0x1];
	p0 =	sne.s32 s2, $0x0  }
0xb2: {  	s3 =	rddreg [dreg:$0x2];
	[bflag:$0x3] =	sbarrier.arrive $0xFFFF;
	s2 =	simm.s32 @!p0 $0x1C0A  }
0xb3: {  	[timem:s3], [sflag:s2] =	dma.local @!p0 [hbm:s0], s1  }
0xb4: {  	s0 =	simm.s32 @!p0 $0xA  }
0xb5: {  	_ =	swait.ge @!p0 [sflag:s0], s1  }
0xb6: {  	s1 =	ssub.s32 @!p0 $0x0, s1;
	[sflag:s0] =	ssyncset.done @!p0 $0x0  }
0xb7: {  	[sflag:s0] =	ssyncadd.s32 @!p0 s1  }
0xb8: {  	[bflag:$0x3] =	sbarrier.arrive $0xFFFF  }
0xb9: {  	_ =	shalt  }

</sc_bundles>
